<compile_context>
chip_gen: v7x
topology: tpu7x:2x2x1
jax: 0.10.2.dev20260603
libtpu: 0.0.44.dev20260713+nightly
codegen_flags: <defaults>
</compile_context>

<pallas_src>
import functools

import jax
import jax.numpy as jnp
from jax import lax
from jax.experimental import pallas as pl
from jax.experimental.pallas import tpu as pltpu
from jax.experimental.pallas import tpu_sc as plsc

_N = 20000
_NS = 16
_CH = 1280
_NP = _NS * _CH
_SL = _CH // 16
_K = 100
_NEG = float("-inf")
_BIG = 3.0e7
_UNROLL = 4


def _shuf(v, perm):
    return lax.gather(
        v,
        perm[:, None],
        lax.GatherDimensionNumbers(
            offset_dims=(), collapsed_slice_dims=(0,), start_index_map=(0,)
        ),
        slice_sizes=(1,),
        mode=lax.GatherScatterMode.PROMISE_IN_BOUNDS,
    )


def _better(av, ai, bv, bi):
    return (av > bv) | ((av == bv) & (ai < bi))


def _nms_body(prop_hbm, breg_hbm, sc_hbm, out_hbm,
              praw, braw, sraw,
              bx1, by1, bx2, by2, ar, sw,
              all16, recv, outb, shared, sem):
    s = lax.axis_index("s")
    c = lax.axis_index("c")
    base = s * _CH
    basef = base.astype(jnp.float32)
    li = lax.iota(jnp.int32, 16)
    idx00 = basef + li.astype(jnp.float32)

    _LAST = _N - 15 * _CH

    @pl.when(s < 15)
    def _():
        cp1 = pltpu.async_copy(prop_hbm.at[pl.ds(base * 4, _CH * 4)], praw, sem)
        cp2 = pltpu.async_copy(breg_hbm.at[pl.ds(base * 4, _CH * 4)], braw, sem)
        cp3 = pltpu.async_copy(sc_hbm.at[pl.ds(base, _CH)], sraw, sem)
        cp1.wait()
        cp2.wait()
        cp3.wait()

    @pl.when(s == 15)
    def _():
        cp1 = pltpu.async_copy(
            prop_hbm.at[pl.ds(15 * _CH * 4, _LAST * 4)],
            praw.at[pl.ds(0, _LAST * 4)], sem)
        cp2 = pltpu.async_copy(
            breg_hbm.at[pl.ds(15 * _CH * 4, _LAST * 4)],
            braw.at[pl.ds(0, _LAST * 4)], sem)
        cp3 = pltpu.async_copy(
            sc_hbm.at[pl.ds(15 * _CH, _LAST)],
            sraw.at[pl.ds(0, _LAST)], sem)
        cp1.wait()
        cp2.wait()
        cp3.wait()

    li4 = li * 4
    m0 = jnp.full((16,), _NEG, jnp.float32)

    def dec(i, carry):
        m1, v1, m2, v2 = carry
        o = pl.ds(i * 16, 16)
        rb = li4 + i * 64
        x1 = plsc.load_gather(praw, [rb])
        y1 = plsc.load_gather(praw, [rb + 1])
        x2 = plsc.load_gather(praw, [rb + 2])
        y2 = plsc.load_gather(praw, [rb + 3])
        w = x2 - x1 + 1.0
        h = y2 - y1 + 1.0
        cx = x1 + 0.5 * w
        cy = y1 + 0.5 * h
        dx = plsc.load_gather(braw, [rb]) / 10.0
        dy = plsc.load_gather(braw, [rb + 1]) / 10.0
        dw = jnp.minimum(plsc.load_gather(braw, [rb + 2]) / 5.0, 4.0)
        dh = jnp.minimum(plsc.load_gather(braw, [rb + 3]) / 5.0, 4.0)
        pcx = dx * w + cx
        pcy = dy * h + cy
        pw = jnp.exp(dw) * w
        ph = jnp.exp(dh) * h
        nx1 = jnp.clip(pcx - 0.5 * pw, 0.0, 1023.0)
        ny1 = jnp.clip(pcy - 0.5 * ph, 0.0, 1023.0)
        nx2 = jnp.clip(pcx + 0.5 * pw - 1.0, 0.0, 1023.0)
        ny2 = jnp.clip(pcy + 0.5 * ph - 1.0, 0.0, 1023.0)
        bx1[o] = nx1
        by1[o] = ny1
        bx2[o] = nx2
        by2[o] = ny2
        ar[o] = (nx2 - nx1 + 1.0) * (ny2 - ny1 + 1.0)
        sv = sraw[o]
        idxg0 = idx00 + (i * 16).astype(jnp.float32)
        swv = jnp.where((sv > 0.05) & (idxg0 < float(_N)), sv, _NEG)
        sw[o] = swv
        idxg = idx00 + (i * 16).astype(jnp.float32)
        c1 = swv > m1
        c2 = swv > m2
        m2 = jnp.where(c1, m1, jnp.where(c2, swv, m2))
        v2 = jnp.where(c1, v1, jnp.where(c2, idxg, v2))
        m1 = jnp.where(c1, swv, m1)
        v1 = jnp.where(c1, idxg, v1)
        return (m1, v1, m2, v2)

    quads0 = lax.fori_loop(0, _SL, dec, (m0, idx00, m0, idx00))

    def pass_fn(w1x1, w1y1, w1x2, w1y2, w1ar,
                w2x1, w2y1, w2x2, w2y2, w2ar):
        def step(i, carry):
            m1, v1, m2, v2 = carry
            for u in range(_UNROLL):
                off = i * (16 * _UNROLL) + u * 16
                o = pl.ds(off, 16)
                swv = sw[o]
                ex1 = bx1[o]
                ey1 = by1[o]
                ex2 = bx2[o]
                ey2 = by2[o]
                ear = ar[o]
                ia1 = jnp.maximum(w1x1, ex1)
                ib1 = jnp.maximum(w1y1, ey1)
                ic1 = jnp.minimum(w1x2, ex2)
                id1 = jnp.minimum(w1y2, ey2)
                iw1 = jnp.maximum(ic1 - ia1 + 1.0, 0.0)
                ih1 = jnp.maximum(id1 - ib1 + 1.0, 0.0)
                in1 = iw1 * ih1
                iou1 = in1 / (w1ar + ear - in1)
                ia2 = jnp.maximum(w2x1, ex1)
                ib2 = jnp.maximum(w2y1, ey1)
                ic2 = jnp.minimum(w2x2, ex2)
                id2 = jnp.minimum(w2y2, ey2)
                iw2 = jnp.maximum(ic2 - ia2 + 1.0, 0.0)
                ih2 = jnp.maximum(id2 - ib2 + 1.0, 0.0)
                in2 = iw2 * ih2
                iou2 = in2 / (w2ar + ear - in2)
                swv = jnp.where((iou1 > 0.5) | (iou2 > 0.5), _NEG, swv)
                sw[o] = swv
                idxg = idx00 + off.astype(jnp.float32)
                c1 = swv > m1
                c2 = swv > m2
                m2 = jnp.where(c1, m1, jnp.where(c2, swv, m2))
                v2 = jnp.where(c1, v1, jnp.where(c2, idxg, v2))
                m1 = jnp.where(c1, swv, m1)
                v1 = jnp.where(c1, idxg, v1)
            return (m1, v1, m2, v2)

        m0 = jnp.full((16,), _NEG, jnp.float32)
        return lax.fori_loop(
            0, _SL // _UNROLL, step, (m0, idx00, m0, idx00)
        )

    fake = jnp.full((16,), _BIG, jnp.float32)
    one = jnp.full((16,), 1.0, jnp.float32)
    quads = quads0

    def round_body(carry):
        count, r, m1, v1, m2, v2 = carry
        for sh in (8, 4, 2, 1):
            perm = jnp.bitwise_xor(li, sh)
            b1v = _shuf(m1, perm)
            b1i = _shuf(v1, perm)
            b2v = _shuf(m2, perm)
            b2i = _shuf(v2, perm)
            bw = _better(m1, v1, b1v, b1i)
            t1v = jnp.where(bw, m1, b1v)
            t1i = jnp.where(bw, v1, b1i)
            lv = jnp.where(bw, b1v, m1)
            lvi = jnp.where(bw, b1i, v1)
            wv = jnp.where(bw, m2, b2v)
            wvi = jnp.where(bw, v2, b2i)
            b2w = _better(lv, lvi, wv, wvi)
            m1, v1 = t1v, t1i
            m2 = jnp.where(b2w, lv, wv)
            v2 = jnp.where(b2w, lvi, wvi)
        off1 = (v1 - basef).astype(jnp.int32)
        off2 = (v2 - basef).astype(jnp.int32)
        g1 = [plsc.load_gather(ref, [off1]) for ref in (bx1, by1, bx2, by2, sraw, ar)]
        g2 = [plsc.load_gather(ref, [off2]) for ref in (bx1, by1, bx2, by2, sraw, ar)]
        vals = [m1, v1, m2, v2] + g1 + g2
        rec = vals[15]
        for ci in range(14, -1, -1):
            rec = jnp.where(li == ci, vals[ci], rec)
        recv[...] = rec
        buf = (r % 2) * 256
        pltpu.sync_copy(recv, shared.at[pl.ds(buf + s * 16, 16)])
        plsc.subcore_barrier()
        pltpu.sync_copy(shared.at[pl.ds(buf, 256)], all16)
        a1v = plsc.load_gather(all16, [li * 16])
        a1i = plsc.load_gather(all16, [li * 16 + 1])
        a2v = plsc.load_gather(all16, [li * 16 + 2])
        a2i = plsc.load_gather(all16, [li * 16 + 3])
        a1p = li * 16 + 4
        a2p = li * 16 + 10
        for sh in (8, 4, 2, 1):
            perm = jnp.bitwise_xor(li, sh)
            b1v = _shuf(a1v, perm)
            b1i = _shuf(a1i, perm)
            b1p = _shuf(a1p, perm)
            b2v = _shuf(a2v, perm)
            b2i = _shuf(a2i, perm)
            b2p = _shuf(a2p, perm)
            bw = _better(a1v, a1i, b1v, b1i)
            t1v = jnp.where(bw, a1v, b1v)
            t1i = jnp.where(bw, a1i, b1i)
            t1p = jnp.where(bw, a1p, b1p)
            lv = jnp.where(bw, b1v, a1v)
            lvi = jnp.where(bw, b1i, a1i)
            lp = jnp.where(bw, b1p, a1p)
            wv = jnp.where(bw, a2v, b2v)
            wvi = jnp.where(bw, a2i, b2i)
            wp = jnp.where(bw, a2p, b2p)
            b2w = _better(lv, lvi, wv, wvi)
            a1v, a1i, a1p = t1v, t1i, t1p
            a2v = jnp.where(b2w, lv, wv)
            a2i = jnp.where(b2w, lvi, wvi)
            a2p = jnp.where(b2w, lp, wp)
        w1x1 = plsc.load_gather(all16, [a1p])
        w1y1 = plsc.load_gather(all16, [a1p + 1])
        w1x2 = plsc.load_gather(all16, [a1p + 2])
        w1y2 = plsc.load_gather(all16, [a1p + 3])
        w1sc = plsc.load_gather(all16, [a1p + 4])
        w1ar = plsc.load_gather(all16, [a1p + 5])
        w2x1 = plsc.load_gather(all16, [a2p])
        w2y1 = plsc.load_gather(all16, [a2p + 1])
        w2x2 = plsc.load_gather(all16, [a2p + 2])
        w2y2 = plsc.load_gather(all16, [a2p + 3])
        w2sc = plsc.load_gather(all16, [a2p + 4])
        w2ar = plsc.load_gather(all16, [a2p + 5])
        jx1 = jnp.maximum(w1x1, w2x1)
        jy1 = jnp.maximum(w1y1, w2y1)
        jx2 = jnp.minimum(w1x2, w2x2)
        jy2 = jnp.minimum(w1y2, w2y2)
        jw = jnp.maximum(jx2 - jx1 + 1.0, 0.0)
        jh = jnp.maximum(jy2 - jy1 + 1.0, 0.0)
        jin = jw * jh
        jiou = jin / (w1ar + w2ar - jin)
        acceptv = (
            (jiou <= 0.5)
            & (a2v > _NEG)
            & jnp.broadcast_to(count <= _K - 2, (16,))
        )
        orec1 = jnp.where(li == 0, w1x1,
                jnp.where(li == 1, w1y1,
                jnp.where(li == 2, w1x2,
                jnp.where(li == 3, w1y2,
                jnp.where(li == 4, w1sc, 0.0)))))
        mask5 = li < 5
        plsc.store_scatter(outb, [count * 5 + li], orec1, mask=mask5)
        orec2 = jnp.where(li == 0, w2x1,
                jnp.where(li == 1, w2y1,
                jnp.where(li == 2, w2x2,
                jnp.where(li == 3, w2y2,
                jnp.where(li == 4, w2sc, 0.0)))))
        plsc.store_scatter(outb, [(count + 1) * 5 + li], orec2, mask=acceptv & mask5)
        count = count + 1 + acceptv.astype(jnp.int32)[0]
        sx1 = jnp.where(acceptv, w2x1, fake)
        sy1 = jnp.where(acceptv, w2y1, fake)
        sx2 = jnp.where(acceptv, w2x2, -fake)
        sy2 = jnp.where(acceptv, w2y2, -fake)
        sar = jnp.where(acceptv, w2ar, one)
        m1, v1, m2, v2 = pass_fn(w1x1, w1y1, w1x2, w1y2, w1ar,
                                 sx1, sy1, sx2, sy2, sar)
        return (count, r + 1, m1, v1, m2, v2)

    init = (jnp.int32(0), jnp.int32(0)) + quads
    lax.while_loop(lambda cr: cr[0] < _K, round_body, init)

    @pl.when(jnp.logical_and(s == 0, c == 0))
    def _():
        pltpu.sync_copy(outb, out_hbm)


@functools.cache
def _get_nms():
    return pl.kernel(
        _nms_body,
        out_type=jax.ShapeDtypeStruct((_K * 5,), jnp.float32),
        mesh=plsc.VectorSubcoreMesh(
            core_axis_name="c", subcore_axis_name="s", num_cores=2, num_subcores=16
        ),
        scratch_types=(
            [
                pltpu.VMEM((_CH * 4,), jnp.float32),
                pltpu.VMEM((_CH * 4,), jnp.float32),
                pltpu.VMEM((_CH,), jnp.float32),
            ]
            + [pltpu.VMEM((_CH,), jnp.float32)] * 6
            + [
                pltpu.VMEM((256,), jnp.float32),
                pltpu.VMEM((16,), jnp.float32),
                pltpu.VMEM((_K * 5,), jnp.float32),
                pltpu.VMEM_SHARED((512,), jnp.float32),
                pltpu.SemaphoreType.DMA,
            ]
        ),
        compiler_params=pltpu.CompilerParams(needs_layout_passes=False),
    )


@jax.jit
def kernel(proposals, box_regression, scores):
    out = _get_nms()(
        proposals.reshape(-1), box_regression.reshape(-1), scores
    )
    return out.reshape(_K, 5)

# --- scband reference (transcript-rebuilt; emitter-appended) ---
"""Pipeline reference for scband-generalized-rcnn-28836410425956 (READ-ONLY COPY).

The authoritative reference and input builder live on the scoring server;
editing this copy changes nothing except your own understanding.
"""

import jax, jax.numpy as jnp
import numpy as np

SCORE_THRESH = 0.05
NMS_THRESH = 0.5
DETECTIONS_PER_IMG = 100
BBOX_REG_WEIGHTS = (10.0, 10.0, 5.0, 5.0)
IMG_SIZE = 1024.0
N = 20000


def setup_inputs(seed: int = 0) -> dict:
    key = jax.random.key(seed)
    k1, k2, k3, k4 = jax.random.split(key, 4)
    xy = jax.random.uniform(k1, (N, 2), dtype=jnp.float32) * (IMG_SIZE - 64.0)
    wh = jax.random.uniform(k2, (N, 2), dtype=jnp.float32) * 192.0 + 8.0
    proposals = jnp.concatenate([xy, xy + wh], axis=1)
    box_regression = jax.random.normal(k3, (N, 4), dtype=jnp.float32) * 0.1
    scores = jax.random.uniform(k4, (N,), dtype=jnp.float32)
    return {"proposals": proposals, "box_regression": box_regression, "scores": scores}


def _decode(proposals, deltas):
    wx, wy, ww, wh = BBOX_REG_WEIGHTS
    widths = proposals[:, 2] - proposals[:, 0] + 1.0
    heights = proposals[:, 3] - proposals[:, 1] + 1.0
    ctr_x = proposals[:, 0] + 0.5 * widths
    ctr_y = proposals[:, 1] + 0.5 * heights
    dx = deltas[:, 0] / wx
    dy = deltas[:, 1] / wy
    dw = jnp.minimum(deltas[:, 2] / ww, 4.0)
    dh = jnp.minimum(deltas[:, 3] / wh, 4.0)
    pred_ctr_x = dx * widths + ctr_x
    pred_ctr_y = dy * heights + ctr_y
    pred_w = jnp.exp(dw) * widths
    pred_h = jnp.exp(dh) * heights
    x1 = pred_ctr_x - 0.5 * pred_w
    y1 = pred_ctr_y - 0.5 * pred_h
    x2 = pred_ctr_x + 0.5 * pred_w - 1.0
    y2 = pred_ctr_y + 0.5 * pred_h - 1.0
    boxes = jnp.stack([x1, y1, x2, y2], axis=1)
    return jnp.clip(boxes, 0.0, IMG_SIZE - 1.0)


def _iou_one_to_many(b, boxes):
    ix1 = jnp.maximum(b[0], boxes[:, 0])
    iy1 = jnp.maximum(b[1], boxes[:, 1])
    ix2 = jnp.minimum(b[2], boxes[:, 2])
    iy2 = jnp.minimum(b[3], boxes[:, 3])
    iw = jnp.maximum(ix2 - ix1 + 1.0, 0.0)
    ih = jnp.maximum(iy2 - iy1 + 1.0, 0.0)
    inter = iw * ih
    area_b = (b[2] - b[0] + 1.0) * (b[3] - b[1] + 1.0)
    areas = (boxes[:, 2] - boxes[:, 0] + 1.0) * (boxes[:, 3] - boxes[:, 1] + 1.0)
    return inter / (area_b + areas - inter)


def reference(proposals, box_regression, scores):
    boxes = _decode(proposals, box_regression)
    sw0 = jnp.where(scores > SCORE_THRESH, scores, -jnp.inf)

    def step(sw, _):
        best = jnp.argmax(sw)
        bb = boxes[best]
        ious = _iou_one_to_many(bb, boxes)
        sw = jnp.where(ious > NMS_THRESH, -jnp.inf, sw)
        sw = sw.at[best].set(-jnp.inf)
        return sw, best

    _, keep = jax.lax.scan(step, sw0, xs=None, length=DETECTIONS_PER_IMG)
    det_boxes = boxes[keep]
    det_scores = scores[keep]
    return jnp.concatenate([det_boxes, det_scores[:, None]], axis=1)

if __name__ == "__main__":
    import jax
    _d = setup_inputs()
    print(jax.jit(kernel)(*tuple(_d.values())))

</pallas_src>

<mosaic_0001>
#map = affine_map<(d0, d1) -> (0)>
module attributes {stable_mosaic.version = 14 : i64} {
  func.func @_nms_body(%arg0: i32, %arg1: i32, %arg2: memref<80000xf32, #tpu.memory_space<hbm>>, %arg3: memref<80000xf32, #tpu.memory_space<hbm>>, %arg4: memref<20000xf32, #tpu.memory_space<hbm>>, %arg5: memref<500xf32, #tpu.memory_space<hbm>>, %arg6: memref<5120xf32, #tpu.memory_space<vmem>>, %arg7: memref<5120xf32, #tpu.memory_space<vmem>>, %arg8: memref<1280xf32, #tpu.memory_space<vmem>>, %arg9: memref<1280xf32, #tpu.memory_space<vmem>>, %arg10: memref<1280xf32, #tpu.memory_space<vmem>>, %arg11: memref<1280xf32, #tpu.memory_space<vmem>>, %arg12: memref<1280xf32, #tpu.memory_space<vmem>>, %arg13: memref<1280xf32, #tpu.memory_space<vmem>>, %arg14: memref<1280xf32, #tpu.memory_space<vmem>>, %arg15: memref<256xf32, #tpu.memory_space<vmem>>, %arg16: memref<16xf32, #tpu.memory_space<vmem>>, %arg17: memref<500xf32, #tpu.memory_space<vmem>>, %arg18: memref<512xf32, #tpu.memory_space<vmem_shared>>, %arg19: memref<!tpu.dma_semaphore, #tpu.memory_space<semaphore_mem>>) attributes {dimension_semantics = [#tpu.dimension_semantics<core_parallel>, #tpu.dimension_semantics<subcore_parallel>], iteration_bounds = array<i64: 2, 16>, scalar_prefetch = 0 : i64, scratch_operands = 14 : i64, tpu.core_type = #tpu.core_type<sc_vector_subcore>, window_params = [{transform_indices = #map}, {transform_indices = #map}, {transform_indices = #map}, {transform_indices = #map}]} {
    %mul3A = arith.constant 1280 : i32
    %mul3A_0 = arith.muli %arg1, %mul3A : i32
    %convert_element_type3A = arith.sitofp %mul3A_0 : i32 to f32
    %iota3A = tpu.iota {dimensions = array<i32: 0>} : vector<16xi32>
    %convert_element_type3A_1 = arith.sitofp %iota3A : vector<16xi32> to vector<16xf32>
    %add3A = vector.broadcast %convert_element_type3A : f32 to vector<16xf32>
    %add3A_2 = arith.addf %add3A, %convert_element_type3A_1 : vector<16xf32>
    %lt3A = arith.constant 15 : i32
    %lt3A_3 = arith.cmpi slt, %arg1, %lt3A : i32
    %convert_element_type3A_4 = arith.extui %lt3A_3 : i1 to i32
    %cond3A = arith.constant 0 : i32
    %cond3A_5 = arith.cmpi ne, %convert_element_type3A_4, %cond3A : i32
    scf.if %cond3A_5 {
      %mul3A_32 = arith.constant 4 : i32
      %mul3A_33 = arith.muli %mul3A_0, %mul3A_32 : i32
      %dma_start3A = tpu.memref_slice %arg2[%mul3A_33] : memref<80000xf32, #tpu.memory_space<hbm>> -> memref<5120xf32, #tpu.memory_space<hbm>>
      %dma_start3A_34 = tpu.memref_slice %arg2[%mul3A_33] : memref<80000xf32, #tpu.memory_space<hbm>> -> memref<5120xf32, #tpu.memory_space<hbm>>
      tpu.enqueue_dma source(%dma_start3A_34 : memref<5120xf32, #tpu.memory_space<hbm>>) target(%arg6 : memref<5120xf32, #tpu.memory_space<vmem>>) target_semaphore(%arg19 : memref<!tpu.dma_semaphore, #tpu.memory_space<semaphore_mem>>)
      %mul3A_35 = arith.constant 4 : i32
      %mul3A_36 = arith.muli %mul3A_0, %mul3A_35 : i32
      %dma_start3A_37 = tpu.memref_slice %arg3[%mul3A_36] : memref<80000xf32, #tpu.memory_space<hbm>> -> memref<5120xf32, #tpu.memory_space<hbm>>
      %dma_start3A_38 = tpu.memref_slice %arg3[%mul3A_36] : memref<80000xf32, #tpu.memory_space<hbm>> -> memref<5120xf32, #tpu.memory_space<hbm>>
      tpu.enqueue_dma source(%dma_start3A_38 : memref<5120xf32, #tpu.memory_space<hbm>>) target(%arg7 : memref<5120xf32, #tpu.memory_space<vmem>>) target_semaphore(%arg19 : memref<!tpu.dma_semaphore, #tpu.memory_space<semaphore_mem>>)
      %dma_start3A_39 = tpu.memref_slice %arg4[%mul3A_0] : memref<20000xf32, #tpu.memory_space<hbm>> -> memref<1280xf32, #tpu.memory_space<hbm>>
      %dma_start3A_40 = tpu.memref_slice %arg4[%mul3A_0] : memref<20000xf32, #tpu.memory_space<hbm>> -> memref<1280xf32, #tpu.memory_space<hbm>>
      tpu.enqueue_dma source(%dma_start3A_40 : memref<1280xf32, #tpu.memory_space<hbm>>) target(%arg8 : memref<1280xf32, #tpu.memory_space<vmem>>) target_semaphore(%arg19 : memref<!tpu.dma_semaphore, #tpu.memory_space<semaphore_mem>>)
      %dma_wait3A = tpu.memref_slice %arg2[%mul3A_33] : memref<80000xf32, #tpu.memory_space<hbm>> -> memref<5120xf32, #tpu.memory_space<hbm>>
      %dma_wait3A_41 = tpu.memref_slice %arg2[%mul3A_33] : memref<80000xf32, #tpu.memory_space<hbm>> -> memref<5120xf32, #tpu.memory_space<hbm>>
      tpu.wait_dma2 semaphore(%arg19 : memref<!tpu.dma_semaphore, #tpu.memory_space<semaphore_mem>>) src(%dma_wait3A_41 : memref<5120xf32, #tpu.memory_space<hbm>>) dst(%arg6 : memref<5120xf32, #tpu.memory_space<vmem>>)
      %dma_wait3A_42 = tpu.memref_slice %arg3[%mul3A_36] : memref<80000xf32, #tpu.memory_space<hbm>> -> memref<5120xf32, #tpu.memory_space<hbm>>
      %dma_wait3A_43 = tpu.memref_slice %arg3[%mul3A_36] : memref<80000xf32, #tpu.memory_space<hbm>> -> memref<5120xf32, #tpu.memory_space<hbm>>
      tpu.wait_dma2 semaphore(%arg19 : memref<!tpu.dma_semaphore, #tpu.memory_space<semaphore_mem>>) src(%dma_wait3A_43 : memref<5120xf32, #tpu.memory_space<hbm>>) dst(%arg7 : memref<5120xf32, #tpu.memory_space<vmem>>)
      %dma_wait3A_44 = tpu.memref_slice %arg4[%mul3A_0] : memref<20000xf32, #tpu.memory_space<hbm>> -> memref<1280xf32, #tpu.memory_space<hbm>>
      %dma_wait3A_45 = tpu.memref_slice %arg4[%mul3A_0] : memref<20000xf32, #tpu.memory_space<hbm>> -> memref<1280xf32, #tpu.memory_space<hbm>>
      tpu.wait_dma2 semaphore(%arg19 : memref<!tpu.dma_semaphore, #tpu.memory_space<semaphore_mem>>) src(%dma_wait3A_45 : memref<1280xf32, #tpu.memory_space<hbm>>) dst(%arg8 : memref<1280xf32, #tpu.memory_space<vmem>>)
    } else {
    }
    %eq3A = arith.constant 15 : i32
    %eq3A_6 = arith.cmpi eq, %arg1, %eq3A : i32
    %convert_element_type3A_7 = arith.extui %eq3A_6 : i1 to i32
    %cond3A_8 = arith.constant 0 : i32
    %cond3A_9 = arith.cmpi ne, %convert_element_type3A_7, %cond3A_8 : i32
    scf.if %cond3A_9 {
      %dma_start3A = arith.constant 0 : i32
      %dma_start3A_32 = tpu.memref_slice %arg6[%dma_start3A] : memref<5120xf32, #tpu.memory_space<vmem>> -> memref<3200xf32, #tpu.memory_space<vmem>>
      %dma_start3A_33 = arith.constant 76800 : i32
      %dma_start3A_34 = tpu.memref_slice %arg2[%dma_start3A_33] : memref<80000xf32, #tpu.memory_space<hbm>> -> memref<3200xf32, #tpu.memory_space<hbm>>
      %dma_start3A_35 = arith.constant 0 : i32
      %dma_start3A_36 = tpu.memref_slice %arg6[%dma_start3A_35] : memref<5120xf32, #tpu.memory_space<vmem>> -> memref<3200xf32, #tpu.memory_space<vmem>>
      %dma_start3A_37 = arith.constant 76800 : i32
      %dma_start3A_38 = tpu.memref_slice %arg2[%dma_start3A_37] : memref<80000xf32, #tpu.memory_space<hbm>> -> memref<3200xf32, #tpu.memory_space<hbm>>
      tpu.enqueue_dma source(%dma_start3A_38 : memref<3200xf32, #tpu.memory_space<hbm>>) target(%dma_start3A_36 : memref<3200xf32, #tpu.memory_space<vmem>>) target_semaphore(%arg19 : memref<!tpu.dma_semaphore, #tpu.memory_space<semaphore_mem>>)
      %dma_start3A_39 = arith.constant 0 : i32
      %dma_start3A_40 = tpu.memref_slice %arg7[%dma_start3A_39] : memref<5120xf32, #tpu.memory_space<vmem>> -> memref<3200xf32, #tpu.memory_space<vmem>>
      %dma_start3A_41 = arith.constant 76800 : i32
      %dma_start3A_42 = tpu.memref_slice %arg3[%dma_start3A_41] : memref<80000xf32, #tpu.memory_space<hbm>> -> memref<3200xf32, #tpu.memory_space<hbm>>
      %dma_start3A_43 = arith.constant 0 : i32
      %dma_start3A_44 = tpu.memref_slice %arg7[%dma_start3A_43] : memref<5120xf32, #tpu.memory_space<vmem>> -> memref<3200xf32, #tpu.memory_space<vmem>>
      %dma_start3A_45 = arith.constant 76800 : i32
      %dma_start3A_46 = tpu.memref_slice %arg3[%dma_start3A_45] : memref<80000xf32, #tpu.memory_space<hbm>> -> memref<3200xf32, #tpu.memory_space<hbm>>
      tpu.enqueue_dma source(%dma_start3A_46 : memref<3200xf32, #tpu.memory_space<hbm>>) target(%dma_start3A_44 : memref<3200xf32, #tpu.memory_space<vmem>>) target_semaphore(%arg19 : memref<!tpu.dma_semaphore, #tpu.memory_space<semaphore_mem>>)
      %dma_start3A_47 = arith.constant 0 : i32
      %dma_start3A_48 = tpu.memref_slice %arg8[%dma_start3A_47] : memref<1280xf32, #tpu.memory_space<vmem>> -> memref<800xf32, #tpu.memory_space<vmem>>
      %dma_start3A_49 = arith.constant 19200 : i32
      %dma_start3A_50 = tpu.memref_slice %arg4[%dma_start3A_49] : memref<20000xf32, #tpu.memory_space<hbm>> -> memref<800xf32, #tpu.memory_space<hbm>>
      %dma_start3A_51 = arith.constant 0 : i32
      %dma_start3A_52 = tpu.memref_slice %arg8[%dma_start3A_51] : memref<1280xf32, #tpu.memory_space<vmem>> -> memref<800xf32, #tpu.memory_space<vmem>>
      %dma_start3A_53 = arith.constant 19200 : i32
      %dma_start3A_54 = tpu.memref_slice %arg4[%dma_start3A_53] : memref<20000xf32, #tpu.memory_space<hbm>> -> memref<800xf32, #tpu.memory_space<hbm>>
      tpu.enqueue_dma source(%dma_start3A_54 : memref<800xf32, #tpu.memory_space<hbm>>) target(%dma_start3A_52 : memref<800xf32, #tpu.memory_space<vmem>>) target_semaphore(%arg19 : memref<!tpu.dma_semaphore, #tpu.memory_space<semaphore_mem>>)
      %dma_wait3A = arith.constant 0 : i32
      %dma_wait3A_55 = tpu.memref_slice %arg6[%dma_wait3A] : memref<5120xf32, #tpu.memory_space<vmem>> -> memref<3200xf32, #tpu.memory_space<vmem>>
      %dma_wait3A_56 = arith.constant 76800 : i32
      %dma_wait3A_57 = tpu.memref_slice %arg2[%dma_wait3A_56] : memref<80000xf32, #tpu.memory_space<hbm>> -> memref<3200xf32, #tpu.memory_space<hbm>>
      %dma_wait3A_58 = arith.constant 0 : i32
      %dma_wait3A_59 = tpu.memref_slice %arg6[%dma_wait3A_58] : memref<5120xf32, #tpu.memory_space<vmem>> -> memref<3200xf32, #tpu.memory_space<vmem>>
      %dma_wait3A_60 = arith.constant 76800 : i32
      %dma_wait3A_61 = tpu.memref_slice %arg2[%dma_wait3A_60] : memref<80000xf32, #tpu.memory_space<hbm>> -> memref<3200xf32, #tpu.memory_space<hbm>>
      tpu.wait_dma2 semaphore(%arg19 : memref<!tpu.dma_semaphore, #tpu.memory_space<semaphore_mem>>) src(%dma_wait3A_61 : memref<3200xf32, #tpu.memory_space<hbm>>) dst(%dma_wait3A_59 : memref<3200xf32, #tpu.memory_space<vmem>>)
      %dma_wait3A_62 = arith.constant 0 : i32
      %dma_wait3A_63 = tpu.memref_slice %arg7[%dma_wait3A_62] : memref<5120xf32, #tpu.memory_space<vmem>> -> memref<3200xf32, #tpu.memory_space<vmem>>
      %dma_wait3A_64 = arith.constant 76800 : i32
      %dma_wait3A_65 = tpu.memref_slice %arg3[%dma_wait3A_64] : memref<80000xf32, #tpu.memory_space<hbm>> -> memref<3200xf32, #tpu.memory_space<hbm>>
      %dma_wait3A_66 = arith.constant 0 : i32
      %dma_wait3A_67 = tpu.memref_slice %arg7[%dma_wait3A_66] : memref<5120xf32, #tpu.memory_space<vmem>> -> memref<3200xf32, #tpu.memory_space<vmem>>
      %dma_wait3A_68 = arith.constant 76800 : i32
      %dma_wait3A_69 = tpu.memref_slice %arg3[%dma_wait3A_68] : memref<80000xf32, #tpu.memory_space<hbm>> -> memref<3200xf32, #tpu.memory_space<hbm>>
      tpu.wait_dma2 semaphore(%arg19 : memref<!tpu.dma_semaphore, #tpu.memory_space<semaphore_mem>>) src(%dma_wait3A_69 : memref<3200xf32, #tpu.memory_space<hbm>>) dst(%dma_wait3A_67 : memref<3200xf32, #tpu.memory_space<vmem>>)
      %dma_wait3A_70 = arith.constant 0 : i32
      %dma_wait3A_71 = tpu.memref_slice %arg8[%dma_wait3A_70] : memref<1280xf32, #tpu.memory_space<vmem>> -> memref<800xf32, #tpu.memory_space<vmem>>
      %dma_wait3A_72 = arith.constant 19200 : i32
      %dma_wait3A_73 = tpu.memref_slice %arg4[%dma_wait3A_72] : memref<20000xf32, #tpu.memory_space<hbm>> -> memref<800xf32, #tpu.memory_space<hbm>>
      %dma_wait3A_74 = arith.constant 0 : i32
      %dma_wait3A_75 = tpu.memref_slice %arg8[%dma_wait3A_74] : memref<1280xf32, #tpu.memory_space<vmem>> -> memref<800xf32, #tpu.memory_space<vmem>>
      %dma_wait3A_76 = arith.constant 19200 : i32
      %dma_wait3A_77 = tpu.memref_slice %arg4[%dma_wait3A_76] : memref<20000xf32, #tpu.memory_space<hbm>> -> memref<800xf32, #tpu.memory_space<hbm>>
      tpu.wait_dma2 semaphore(%arg19 : memref<!tpu.dma_semaphore, #tpu.memory_space<semaphore_mem>>) src(%dma_wait3A_77 : memref<800xf32, #tpu.memory_space<hbm>>) dst(%dma_wait3A_75 : memref<800xf32, #tpu.memory_space<vmem>>)
    } else {
    }
    %mul3A_10 = arith.constant 4 : i32
    %mul3A_11 = vector.broadcast %mul3A_10 : i32 to vector<16xi32>
    %mul3A_12 = arith.muli %iota3A, %mul3A_11 : vector<16xi32>
    %broadcast_in_dim3A = arith.constant 0xFF800000 : f32
    %broadcast_in_dim3A_13 = vector.broadcast %broadcast_in_dim3A : f32 to vector<16xf32>
    %scan3A = arith.constant 0 : i32
    %scan3A_14 = arith.constant 80 : i32
    %scan3A_15 = arith.addi %scan3A, %scan3A_14 : i32
    %scan3A_16 = arith.constant 1 : i32
    %scan3A_17:4 = scf.for %scan3A_32 = %scan3A to %scan3A_15 step %scan3A_16 iter_args(%scan3A_33 = %broadcast_in_dim3A_13, %scan3A_34 = %add3A_2, %scan3A_35 = %broadcast_in_dim3A_13, %scan3A_36 = %add3A_2) -> (vector<16xf32>, vector<16xf32>, vector<16xf32>, vector<16xf32>)  : i32 {
      %mul3A_37 = arith.constant 16 : i32
      %mul3A_38 = arith.muli %scan3A_32, %mul3A_37 : i32
      %mul3A_39 = arith.constant 64 : i32
      %mul3A_40 = arith.muli %scan3A_32, %mul3A_39 : i32
      %add3A_41 = vector.broadcast %mul3A_40 : i32 to vector<16xi32>
      %add3A_42 = arith.addi %mul3A_12, %add3A_41 : vector<16xi32>
      %gather3A = tpu.vector_load_idx %arg6[%add3A_42] : memref<5120xf32, #tpu.memory_space<vmem>>[vector<16xi32>], vector<16xf32>,
      %add3A_43 = arith.constant 1 : i32
      %add3A_44 = vector.broadcast %add3A_43 : i32 to vector<16xi32>
      %add3A_45 = arith.addi %add3A_42, %add3A_44 : vector<16xi32>
      %gather3A_46 = tpu.vector_load_idx %arg6[%add3A_45] : memref<5120xf32, #tpu.memory_space<vmem>>[vector<16xi32>], vector<16xf32>,
      %add3A_47 = arith.constant 2 : i32
      %add3A_48 = vector.broadcast %add3A_47 : i32 to vector<16xi32>
      %add3A_49 = arith.addi %add3A_42, %add3A_48 : vector<16xi32>
      %gather3A_50 = tpu.vector_load_idx %arg6[%add3A_49] : memref<5120xf32, #tpu.memory_space<vmem>>[vector<16xi32>], vector<16xf32>,
      %add3A_51 = arith.constant 3 : i32
      %add3A_52 = vector.broadcast %add3A_51 : i32 to vector<16xi32>
      %add3A_53 = arith.addi %add3A_42, %add3A_52 : vector<16xi32>
      %gather3A_54 = tpu.vector_load_idx %arg6[%add3A_53] : memref<5120xf32, #tpu.memory_space<vmem>>[vector<16xi32>], vector<16xf32>,
      %sub3A = arith.subf %gather3A_50, %gather3A : vector<16xf32>
      %add3A_55 = arith.constant 1.000000e+00 : f32
      %add3A_56 = vector.broadcast %add3A_55 : f32 to vector<16xf32>
      %add3A_57 = arith.addf %sub3A, %add3A_56 : vector<16xf32>
      %sub3A_58 = arith.subf %gather3A_54, %gather3A_46 : vector<16xf32>
      %add3A_59 = arith.constant 1.000000e+00 : f32
      %add3A_60 = vector.broadcast %add3A_59 : f32 to vector<16xf32>
      %add3A_61 = arith.addf %sub3A_58, %add3A_60 : vector<16xf32>
      %mul3A_62 = arith.constant 5.000000e-01 : f32
      %mul3A_63 = vector.broadcast %mul3A_62 : f32 to vector<16xf32>
      %mul3A_64 = arith.mulf %mul3A_63, %add3A_57 : vector<16xf32>
      %add3A_65 = arith.addf %gather3A, %mul3A_64 : vector<16xf32>
      %mul3A_66 = arith.constant 5.000000e-01 : f32
      %mul3A_67 = vector.broadcast %mul3A_66 : f32 to vector<16xf32>
      %mul3A_68 = arith.mulf %mul3A_67, %add3A_61 : vector<16xf32>
      %add3A_69 = arith.addf %gather3A_46, %mul3A_68 : vector<16xf32>
      %gather3A_70 = tpu.vector_load_idx %arg7[%add3A_42] : memref<5120xf32, #tpu.memory_space<vmem>>[vector<16xi32>], vector<16xf32>,
      %div3A = arith.constant 1.000000e+01 : f32
      %div3A_71 = vector.broadcast %div3A : f32 to vector<16xf32>
      %div3A_72 = arith.divf %gather3A_70, %div3A_71 : vector<16xf32>
      %add3A_73 = arith.constant 1 : i32
      %add3A_74 = vector.broadcast %add3A_73 : i32 to vector<16xi32>
      %add3A_75 = arith.addi %add3A_42, %add3A_74 : vector<16xi32>
      %gather3A_76 = tpu.vector_load_idx %arg7[%add3A_75] : memref<5120xf32, #tpu.memory_space<vmem>>[vector<16xi32>], vector<16xf32>,
      %div3A_77 = arith.constant 1.000000e+01 : f32
      %div3A_78 = vector.broadcast %div3A_77 : f32 to vector<16xf32>
      %div3A_79 = arith.divf %gather3A_76, %div3A_78 : vector<16xf32>
      %add3A_80 = arith.constant 2 : i32
      %add3A_81 = vector.broadcast %add3A_80 : i32 to vector<16xi32>
      %add3A_82 = arith.addi %add3A_42, %add3A_81 : vector<16xi32>
      %gather3A_83 = tpu.vector_load_idx %arg7[%add3A_82] : memref<5120xf32, #tpu.memory_space<vmem>>[vector<16xi32>], vector<16xf32>,
      %div3A_84 = arith.constant 5.000000e+00 : f32
      %div3A_85 = vector.broadcast %div3A_84 : f32 to vector<16xf32>
      %div3A_86 = arith.divf %gather3A_83, %div3A_85 : vector<16xf32>
      %min3A = arith.constant 4.000000e+00 : f32
      %min3A_87 = vector.broadcast %min3A : f32 to vector<16xf32>
      %min3A_88 = arith.minimumf %div3A_86, %min3A_87 : vector<16xf32>
      %add3A_89 = arith.constant 3 : i32
      %add3A_90 = vector.broadcast %add3A_89 : i32 to vector<16xi32>
      %add3A_91 = arith.addi %add3A_42, %add3A_90 : vector<16xi32>
      %gather3A_92 = tpu.vector_load_idx %arg7[%add3A_91] : memref<5120xf32, #tpu.memory_space<vmem>>[vector<16xi32>], vector<16xf32>,
      %div3A_93 = arith.constant 5.000000e+00 : f32
      %div3A_94 = vector.broadcast %div3A_93 : f32 to vector<16xf32>
      %div3A_95 = arith.divf %gather3A_92, %div3A_94 : vector<16xf32>
      %min3A_96 = arith.constant 4.000000e+00 : f32
      %min3A_97 = vector.broadcast %min3A_96 : f32 to vector<16xf32>
      %min3A_98 = arith.minimumf %div3A_95, %min3A_97 : vector<16xf32>
      %mul3A_99 = arith.mulf %div3A_72, %add3A_57 : vector<16xf32>
      %add3A_100 = arith.addf %mul3A_99, %add3A_65 : vector<16xf32>
      %mul3A_101 = arith.mulf %div3A_79, %add3A_61 : vector<16xf32>
      %add3A_102 = arith.addf %mul3A_101, %add3A_69 : vector<16xf32>
      %exp3A = math.exp %min3A_88 : vector<16xf32>
      %mul3A_103 = arith.mulf %exp3A, %add3A_57 : vector<16xf32>
      %exp3A_104 = math.exp %min3A_98 : vector<16xf32>
      %mul3A_105 = arith.mulf %exp3A_104, %add3A_61 : vector<16xf32>
      %mul3A_106 = arith.constant 5.000000e-01 : f32
      %mul3A_107 = vector.broadcast %mul3A_106 : f32 to vector<16xf32>
      %mul3A_108 = arith.mulf %mul3A_107, %mul3A_103 : vector<16xf32>
      %sub3A_109 = arith.subf %add3A_100, %mul3A_108 : vector<16xf32>
      %jit3A = arith.constant 0.000000e+00 : f32
      %jit3A_110 = arith.constant 1.023000e+03 : f32
      %max3A = vector.broadcast %jit3A : f32 to vector<16xf32>
      %max3A_111 = arith.maximumf %max3A, %sub3A_109 : vector<16xf32>
      %min3A_112 = vector.broadcast %jit3A_110 : f32 to vector<16xf32>
      %min3A_113 = arith.minimumf %min3A_112, %max3A_111 : vector<16xf32>
      %mul3A_114 = arith.constant 5.000000e-01 : f32
      %mul3A_115 = vector.broadcast %mul3A_114 : f32 to vector<16xf32>
      %mul3A_116 = arith.mulf %mul3A_115, %mul3A_105 : vector<16xf32>
      %sub3A_117 = arith.subf %add3A_102, %mul3A_116 : vector<16xf32>
      %jit3A_118 = arith.constant 0.000000e+00 : f32
      %jit3A_119 = arith.constant 1.023000e+03 : f32
      %max3A_120 = vector.broadcast %jit3A_118 : f32 to vector<16xf32>
      %max3A_121 = arith.maximumf %max3A_120, %sub3A_117 : vector<16xf32>
      %min3A_122 = vector.broadcast %jit3A_119 : f32 to vector<16xf32>
      %min3A_123 = arith.minimumf %min3A_122, %max3A_121 : vector<16xf32>
      %mul3A_124 = arith.constant 5.000000e-01 : f32
      %mul3A_125 = vector.broadcast %mul3A_124 : f32 to vector<16xf32>
      %mul3A_126 = arith.mulf %mul3A_125, %mul3A_103 : vector<16xf32>
      %add3A_127 = arith.addf %add3A_100, %mul3A_126 : vector<16xf32>
      %sub3A_128 = arith.constant 1.000000e+00 : f32
      %sub3A_129 = vector.broadcast %sub3A_128 : f32 to vector<16xf32>
      %sub3A_130 = arith.subf %add3A_127, %sub3A_129 : vector<16xf32>
      %jit3A_131 = arith.constant 0.000000e+00 : f32
      %jit3A_132 = arith.constant 1.023000e+03 : f32
      %max3A_133 = vector.broadcast %jit3A_131 : f32 to vector<16xf32>
      %max3A_134 = arith.maximumf %max3A_133, %sub3A_130 : vector<16xf32>
      %min3A_135 = vector.broadcast %jit3A_132 : f32 to vector<16xf32>
      %min3A_136 = arith.minimumf %min3A_135, %max3A_134 : vector<16xf32>
      %mul3A_137 = arith.constant 5.000000e-01 : f32
      %mul3A_138 = vector.broadcast %mul3A_137 : f32 to vector<16xf32>
      %mul3A_139 = arith.mulf %mul3A_138, %mul3A_105 : vector<16xf32>
      %add3A_140 = arith.addf %add3A_102, %mul3A_139 : vector<16xf32>
      %sub3A_141 = arith.constant 1.000000e+00 : f32
      %sub3A_142 = vector.broadcast %sub3A_141 : f32 to vector<16xf32>
      %sub3A_143 = arith.subf %add3A_140, %sub3A_142 : vector<16xf32>
      %jit3A_144 = arith.constant 0.000000e+00 : f32
      %jit3A_145 = arith.constant 1.023000e+03 : f32
      %max3A_146 = vector.broadcast %jit3A_144 : f32 to vector<16xf32>
      %max3A_147 = arith.maximumf %max3A_146, %sub3A_143 : vector<16xf32>
      %min3A_148 = vector.broadcast %jit3A_145 : f32 to vector<16xf32>
      %min3A_149 = arith.minimumf %min3A_148, %max3A_147 : vector<16xf32>
      %swap3A = arith.index_cast %mul3A_38 : i32 to index
      %swap3A_150 = tpu.vector_load %arg9[%swap3A] {strides = array<i32>} : memref<1280xf32, #tpu.memory_space<vmem>>, vector<16xf32>,
      tpu.vector_store %arg9[%swap3A], %min3A_113 {strides = array<i32>} : memref<1280xf32, #tpu.memory_space<vmem>>, vector<16xf32>,
      %swap3A_151 = arith.index_cast %mul3A_38 : i32 to index
      %swap3A_152 = tpu.vector_load %arg10[%swap3A_151] {strides = array<i32>} : memref<1280xf32, #tpu.memory_space<vmem>>, vector<16xf32>,
      tpu.vector_store %arg10[%swap3A_151], %min3A_123 {strides = array<i32>} : memref<1280xf32, #tpu.memory_space<vmem>>, vector<16xf32>,
      %swap3A_153 = arith.index_cast %mul3A_38 : i32 to index
      %swap3A_154 = tpu.vector_load %arg11[%swap3A_153] {strides = array<i32>} : memref<1280xf32, #tpu.memory_space<vmem>>, vector<16xf32>,
      tpu.vector_store %arg11[%swap3A_153], %min3A_136 {strides = array<i32>} : memref<1280xf32, #tpu.memory_space<vmem>>, vector<16xf32>,
      %swap3A_155 = arith.index_cast %mul3A_38 : i32 to index
      %swap3A_156 = tpu.vector_load %arg12[%swap3A_155] {strides = array<i32>} : memref<1280xf32, #tpu.memory_space<vmem>>, vector<16xf32>,
      tpu.vector_store %arg12[%swap3A_155], %min3A_149 {strides = array<i32>} : memref<1280xf32, #tpu.memory_space<vmem>>, vector<16xf32>,
      %sub3A_157 = arith.subf %min3A_136, %min3A_113 : vector<16xf32>
      %add3A_158 = arith.constant 1.000000e+00 : f32
      %add3A_159 = vector.broadcast %add3A_158 : f32 to vector<16xf32>
      %add3A_160 = arith.addf %sub3A_157, %add3A_159 : vector<16xf32>
      %sub3A_161 = arith.subf %min3A_149, %min3A_123 : vector<16xf32>
      %add3A_162 = arith.constant 1.000000e+00 : f32
      %add3A_163 = vector.broadcast %add3A_162 : f32 to vector<16xf32>
      %add3A_164 = arith.addf %sub3A_161, %add3A_163 : vector<16xf32>
      %mul3A_165 = arith.mulf %add3A_160, %add3A_164 : vector<16xf32>
      %swap3A_166 = arith.index_cast %mul3A_38 : i32 to index
      %swap3A_167 = tpu.vector_load %arg13[%swap3A_166] {strides = array<i32>} : memref<1280xf32, #tpu.memory_space<vmem>>, vector<16xf32>,
      tpu.vector_store %arg13[%swap3A_166], %mul3A_165 {strides = array<i32>} : memref<1280xf32, #tpu.memory_space<vmem>>, vector<16xf32>,
      %get3A = arith.index_cast %mul3A_38 : i32 to index
      %get3A_168 = tpu.vector_load %arg8[%get3A] {strides = array<i32>} : memref<1280xf32, #tpu.memory_space<vmem>>, vector<16xf32>,
      %mul3A_169 = arith.constant 16 : i32
      %mul3A_170 = arith.muli %scan3A_32, %mul3A_169 : i32
      %convert_element_type3A_171 = arith.sitofp %mul3A_170 : i32 to f32
      %add3A_172 = vector.broadcast %convert_element_type3A_171 : f32 to vector<16xf32>
      %add3A_173 = arith.addf %add3A_2, %add3A_172 : vector<16xf32>
      %gt3A = arith.constant 5.000000e-02 : f32
      %gt3A_174 = vector.broadcast %gt3A : f32 to vector<16xf32>
      %gt3A_175 = arith.cmpf ogt, %get3A_168, %gt3A_174 : vector<16xf32>
      %lt3A_176 = arith.constant 2.000000e+04 : f32
      %lt3A_177 = vector.broadcast %lt3A_176 : f32 to vector<16xf32>
      %lt3A_178 = arith.cmpf olt, %add3A_173, %lt3A_177 : vector<16xf32>
      %and3A_179 = arith.andi %gt3A_175, %lt3A_178 : vector<16xi1>
      %jit3A_180 = arith.constant 0xFF800000 : f32
      %broadcast_in_dim3A_181 = vector.broadcast %jit3A_180 : f32 to vector<16xf32>
      %select_n3A = arith.select %and3A_179, %get3A_168, %broadcast_in_dim3A_181 : vector<16xi1>, vector<16xf32>
      %swap3A_182 = arith.index_cast %mul3A_38 : i32 to index
      %swap3A_183 = tpu.vector_load %arg14[%swap3A_182] {strides = array<i32>} : memref<1280xf32, #tpu.memory_space<vmem>>, vector<16xf32>,
      tpu.vector_store %arg14[%swap3A_182], %select_n3A {strides = array<i32>} : memref<1280xf32, #tpu.memory_space<vmem>>, vector<16xf32>,
      %mul3A_184 = arith.constant 16 : i32
      %mul3A_185 = arith.muli %scan3A_32, %mul3A_184 : i32
      %convert_element_type3A_186 = arith.sitofp %mul3A_185 : i32 to f32
      %add3A_187 = vector.broadcast %convert_element_type3A_186 : f32 to vector<16xf32>
      %add3A_188 = arith.addf %add3A_2, %add3A_187 : vector<16xf32>
      %gt3A_189 = arith.cmpf ogt, %select_n3A, %scan3A_33 : vector<16xf32>
      %gt3A_190 = arith.cmpf ogt, %select_n3A, %scan3A_35 : vector<16xf32>
      %select_n3A_191 = arith.select %gt3A_190, %select_n3A, %scan3A_35 : vector<16xi1>, vector<16xf32>
      %select_n3A_192 = arith.select %gt3A_189, %scan3A_33, %select_n3A_191 : vector<16xi1>, vector<16xf32>
      %select_n3A_193 = arith.select %gt3A_190, %add3A_188, %scan3A_36 : vector<16xi1>, vector<16xf32>
      %select_n3A_194 = arith.select %gt3A_189, %scan3A_34, %select_n3A_193 : vector<16xi1>, vector<16xf32>
      %select_n3A_195 = arith.select %gt3A_189, %select_n3A, %scan3A_33 : vector<16xi1>, vector<16xf32>
      %select_n3A_196 = arith.select %gt3A_189, %add3A_188, %scan3A_34 : vector<16xi1>, vector<16xf32>
      scf.yield %select_n3A_195, %select_n3A_196, %select_n3A_192, %select_n3A_194 : vector<16xf32>, vector<16xf32>, vector<16xf32>, vector<16xf32>
    }
    %scan3A_18 = arith.constant 80 : i32
    %broadcast_in_dim3A_19 = arith.constant 3.000000e+07 : f32
    %broadcast_in_dim3A_20 = vector.broadcast %broadcast_in_dim3A_19 : f32 to vector<16xf32>
    %broadcast_in_dim3A_21 = arith.constant 1.000000e+00 : f32
    %broadcast_in_dim3A_22 = vector.broadcast %broadcast_in_dim3A_21 : f32 to vector<16xf32>
    %while3A = arith.constant 0 : i32
    %while3A_23 = arith.constant 0 : i32
    %while3A_24:6 = scf.while (%while3A_32 = %while3A, %while3A_33 = %while3A_23, %while3A_34 = %scan3A_17#0, %while3A_35 = %scan3A_17#1, %while3A_36 = %scan3A_17#2, %while3A_37 = %scan3A_17#3) : (i32, i32, vector<16xf32>, vector<16xf32>, vector<16xf32>, vector<16xf32>) -> (i32, i32, vector<16xf32>, vector<16xf32>, vector<16xf32>, vector<16xf32>) {
      %lt3A_38 = arith.constant 100 : i32
      %lt3A_39 = arith.cmpi slt, %while3A_32, %lt3A_38 : i32
      scf.condition(%lt3A_39) %while3A_32, %while3A_33, %while3A_34, %while3A_35, %while3A_36, %while3A_37 : i32, i32, vector<16xf32>, vector<16xf32>, vector<16xf32>, vector<16xf32>
    } do {
    ^bb0(%while3A_32: i32, %while3A_33: i32, %while3A_34: vector<16xf32>, %while3A_35: vector<16xf32>, %while3A_36: vector<16xf32>, %while3A_37: vector<16xf32>):
      %xor3A = arith.constant 8 : i32
      %xor3A_38 = vector.broadcast %xor3A : i32 to vector<16xi32>
      %xor3A_39 = arith.xori %iota3A, %xor3A_38 : vector<16xi32>
      %broadcast_in_dim3A_40 = vector.shape_cast %xor3A_39 : vector<16xi32> to vector<16x1xi32>
      %gather3A = vector.shape_cast %broadcast_in_dim3A_40 : vector<16x1xi32> to vector<16xi32>
      %gather3A_41 = tpu.dynamic_gather %while3A_34[%gather3A] in [0] : vector<16xf32>, vector<16xi32> -> vector<16xf32>
      %broadcast_in_dim3A_42 = vector.shape_cast %xor3A_39 : vector<16xi32> to vector<16x1xi32>
      %gather3A_43 = vector.shape_cast %broadcast_in_dim3A_42 : vector<16x1xi32> to vector<16xi32>
      %gather3A_44 = tpu.dynamic_gather %while3A_35[%gather3A_43] in [0] : vector<16xf32>, vector<16xi32> -> vector<16xf32>
      %broadcast_in_dim3A_45 = vector.shape_cast %xor3A_39 : vector<16xi32> to vector<16x1xi32>
      %gather3A_46 = vector.shape_cast %broadcast_in_dim3A_45 : vector<16x1xi32> to vector<16xi32>
      %gather3A_47 = tpu.dynamic_gather %while3A_36[%gather3A_46] in [0] : vector<16xf32>, vector<16xi32> -> vector<16xf32>
      %broadcast_in_dim3A_48 = vector.shape_cast %xor3A_39 : vector<16xi32> to vector<16x1xi32>
      %gather3A_49 = vector.shape_cast %broadcast_in_dim3A_48 : vector<16x1xi32> to vector<16xi32>
      %gather3A_50 = tpu.dynamic_gather %while3A_37[%gather3A_49] in [0] : vector<16xf32>, vector<16xi32> -> vector<16xf32>
      %gt3A = arith.cmpf ogt, %while3A_34, %gather3A_41 : vector<16xf32>
      %eq3A_51 = arith.cmpf oeq, %while3A_34, %gather3A_41 : vector<16xf32>
      %lt3A_52 = arith.cmpf olt, %while3A_35, %gather3A_44 : vector<16xf32>
      %and3A_53 = arith.andi %eq3A_51, %lt3A_52 : vector<16xi1>
      %or3A = arith.ori %gt3A, %and3A_53 : vector<16xi1>
      %select_n3A = arith.select %or3A, %while3A_34, %gather3A_41 : vector<16xi1>, vector<16xf32>
      %select_n3A_54 = arith.select %or3A, %while3A_35, %gather3A_44 : vector<16xi1>, vector<16xf32>
      %select_n3A_55 = arith.select %or3A, %gather3A_41, %while3A_34 : vector<16xi1>, vector<16xf32>
      %select_n3A_56 = arith.select %or3A, %gather3A_44, %while3A_35 : vector<16xi1>, vector<16xf32>
      %select_n3A_57 = arith.select %or3A, %while3A_36, %gather3A_47 : vector<16xi1>, vector<16xf32>
      %select_n3A_58 = arith.select %or3A, %while3A_37, %gather3A_50 : vector<16xi1>, vector<16xf32>
      %gt3A_59 = arith.cmpf ogt, %select_n3A_55, %select_n3A_57 : vector<16xf32>
      %eq3A_60 = arith.cmpf oeq, %select_n3A_55, %select_n3A_57 : vector<16xf32>
      %lt3A_61 = arith.cmpf olt, %select_n3A_56, %select_n3A_58 : vector<16xf32>
      %and3A_62 = arith.andi %eq3A_60, %lt3A_61 : vector<16xi1>
      %or3A_63 = arith.ori %gt3A_59, %and3A_62 : vector<16xi1>
      %select_n3A_64 = arith.select %or3A_63, %select_n3A_55, %select_n3A_57 : vector<16xi1>, vector<16xf32>
      %select_n3A_65 = arith.select %or3A_63, %select_n3A_56, %select_n3A_58 : vector<16xi1>, vector<16xf32>
      %xor3A_66 = arith.constant 4 : i32
      %xor3A_67 = vector.broadcast %xor3A_66 : i32 to vector<16xi32>
      %xor3A_68 = arith.xori %iota3A, %xor3A_67 : vector<16xi32>
      %broadcast_in_dim3A_69 = vector.shape_cast %xor3A_68 : vector<16xi32> to vector<16x1xi32>
      %gather3A_70 = vector.shape_cast %broadcast_in_dim3A_69 : vector<16x1xi32> to vector<16xi32>
      %gather3A_71 = tpu.dynamic_gather %select_n3A[%gather3A_70] in [0] : vector<16xf32>, vector<16xi32> -> vector<16xf32>
      %broadcast_in_dim3A_72 = vector.shape_cast %xor3A_68 : vector<16xi32> to vector<16x1xi32>
      %gather3A_73 = vector.shape_cast %broadcast_in_dim3A_72 : vector<16x1xi32> to vector<16xi32>
      %gather3A_74 = tpu.dynamic_gather %select_n3A_54[%gather3A_73] in [0] : vector<16xf32>, vector<16xi32> -> vector<16xf32>
      %broadcast_in_dim3A_75 = vector.shape_cast %xor3A_68 : vector<16xi32> to vector<16x1xi32>
      %gather3A_76 = vector.shape_cast %broadcast_in_dim3A_75 : vector<16x1xi32> to vector<16xi32>
      %gather3A_77 = tpu.dynamic_gather %select_n3A_64[%gather3A_76] in [0] : vector<16xf32>, vector<16xi32> -> vector<16xf32>
      %broadcast_in_dim3A_78 = vector.shape_cast %xor3A_68 : vector<16xi32> to vector<16x1xi32>
      %gather3A_79 = vector.shape_cast %broadcast_in_dim3A_78 : vector<16x1xi32> to vector<16xi32>
      %gather3A_80 = tpu.dynamic_gather %select_n3A_65[%gather3A_79] in [0] : vector<16xf32>, vector<16xi32> -> vector<16xf32>
      %gt3A_81 = arith.cmpf ogt, %select_n3A, %gather3A_71 : vector<16xf32>
      %eq3A_82 = arith.cmpf oeq, %select_n3A, %gather3A_71 : vector<16xf32>
      %lt3A_83 = arith.cmpf olt, %select_n3A_54, %gather3A_74 : vector<16xf32>
      %and3A_84 = arith.andi %eq3A_82, %lt3A_83 : vector<16xi1>
      %or3A_85 = arith.ori %gt3A_81, %and3A_84 : vector<16xi1>
      %select_n3A_86 = arith.select %or3A_85, %select_n3A, %gather3A_71 : vector<16xi1>, vector<16xf32>
      %select_n3A_87 = arith.select %or3A_85, %select_n3A_54, %gather3A_74 : vector<16xi1>, vector<16xf32>
      %select_n3A_88 = arith.select %or3A_85, %gather3A_71, %select_n3A : vector<16xi1>, vector<16xf32>
      %select_n3A_89 = arith.select %or3A_85, %gather3A_74, %select_n3A_54 : vector<16xi1>, vector<16xf32>
      %select_n3A_90 = arith.select %or3A_85, %select_n3A_64, %gather3A_77 : vector<16xi1>, vector<16xf32>
      %select_n3A_91 = arith.select %or3A_85, %select_n3A_65, %gather3A_80 : vector<16xi1>, vector<16xf32>
      %gt3A_92 = arith.cmpf ogt, %select_n3A_88, %select_n3A_90 : vector<16xf32>
      %eq3A_93 = arith.cmpf oeq, %select_n3A_88, %select_n3A_90 : vector<16xf32>
      %lt3A_94 = arith.cmpf olt, %select_n3A_89, %select_n3A_91 : vector<16xf32>
      %and3A_95 = arith.andi %eq3A_93, %lt3A_94 : vector<16xi1>
      %or3A_96 = arith.ori %gt3A_92, %and3A_95 : vector<16xi1>
      %select_n3A_97 = arith.select %or3A_96, %select_n3A_88, %select_n3A_90 : vector<16xi1>, vector<16xf32>
      %select_n3A_98 = arith.select %or3A_96, %select_n3A_89, %select_n3A_91 : vector<16xi1>, vector<16xf32>
      %xor3A_99 = arith.constant 2 : i32
      %xor3A_100 = vector.broadcast %xor3A_99 : i32 to vector<16xi32>
      %xor3A_101 = arith.xori %iota3A, %xor3A_100 : vector<16xi32>
      %broadcast_in_dim3A_102 = vector.shape_cast %xor3A_101 : vector<16xi32> to vector<16x1xi32>
      %gather3A_103 = vector.shape_cast %broadcast_in_dim3A_102 : vector<16x1xi32> to vector<16xi32>
      %gather3A_104 = tpu.dynamic_gather %select_n3A_86[%gather3A_103] in [0] : vector<16xf32>, vector<16xi32> -> vector<16xf32>
      %broadcast_in_dim3A_105 = vector.shape_cast %xor3A_101 : vector<16xi32> to vector<16x1xi32>
      %gather3A_106 = vector.shape_cast %broadcast_in_dim3A_105 : vector<16x1xi32> to vector<16xi32>
      %gather3A_107 = tpu.dynamic_gather %select_n3A_87[%gather3A_106] in [0] : vector<16xf32>, vector<16xi32> -> vector<16xf32>
      %broadcast_in_dim3A_108 = vector.shape_cast %xor3A_101 : vector<16xi32> to vector<16x1xi32>
      %gather3A_109 = vector.shape_cast %broadcast_in_dim3A_108 : vector<16x1xi32> to vector<16xi32>
      %gather3A_110 = tpu.dynamic_gather %select_n3A_97[%gather3A_109] in [0] : vector<16xf32>, vector<16xi32> -> vector<16xf32>
      %broadcast_in_dim3A_111 = vector.shape_cast %xor3A_101 : vector<16xi32> to vector<16x1xi32>
      %gather3A_112 = vector.shape_cast %broadcast_in_dim3A_111 : vector<16x1xi32> to vector<16xi32>
      %gather3A_113 = tpu.dynamic_gather %select_n3A_98[%gather3A_112] in [0] : vector<16xf32>, vector<16xi32> -> vector<16xf32>
      %gt3A_114 = arith.cmpf ogt, %select_n3A_86, %gather3A_104 : vector<16xf32>
      %eq3A_115 = arith.cmpf oeq, %select_n3A_86, %gather3A_104 : vector<16xf32>
      %lt3A_116 = arith.cmpf olt, %select_n3A_87, %gather3A_107 : vector<16xf32>
      %and3A_117 = arith.andi %eq3A_115, %lt3A_116 : vector<16xi1>
      %or3A_118 = arith.ori %gt3A_114, %and3A_117 : vector<16xi1>
      %select_n3A_119 = arith.select %or3A_118, %select_n3A_86, %gather3A_104 : vector<16xi1>, vector<16xf32>
      %select_n3A_120 = arith.select %or3A_118, %select_n3A_87, %gather3A_107 : vector<16xi1>, vector<16xf32>
      %select_n3A_121 = arith.select %or3A_118, %gather3A_104, %select_n3A_86 : vector<16xi1>, vector<16xf32>
      %select_n3A_122 = arith.select %or3A_118, %gather3A_107, %select_n3A_87 : vector<16xi1>, vector<16xf32>
      %select_n3A_123 = arith.select %or3A_118, %select_n3A_97, %gather3A_110 : vector<16xi1>, vector<16xf32>
      %select_n3A_124 = arith.select %or3A_118, %select_n3A_98, %gather3A_113 : vector<16xi1>, vector<16xf32>
      %gt3A_125 = arith.cmpf ogt, %select_n3A_121, %select_n3A_123 : vector<16xf32>
      %eq3A_126 = arith.cmpf oeq, %select_n3A_121, %select_n3A_123 : vector<16xf32>
      %lt3A_127 = arith.cmpf olt, %select_n3A_122, %select_n3A_124 : vector<16xf32>
      %and3A_128 = arith.andi %eq3A_126, %lt3A_127 : vector<16xi1>
      %or3A_129 = arith.ori %gt3A_125, %and3A_128 : vector<16xi1>
      %select_n3A_130 = arith.select %or3A_129, %select_n3A_121, %select_n3A_123 : vector<16xi1>, vector<16xf32>
      %select_n3A_131 = arith.select %or3A_129, %select_n3A_122, %select_n3A_124 : vector<16xi1>, vector<16xf32>
      %xor3A_132 = arith.constant 1 : i32
      %xor3A_133 = vector.broadcast %xor3A_132 : i32 to vector<16xi32>
      %xor3A_134 = arith.xori %iota3A, %xor3A_133 : vector<16xi32>
      %broadcast_in_dim3A_135 = vector.shape_cast %xor3A_134 : vector<16xi32> to vector<16x1xi32>
      %gather3A_136 = vector.shape_cast %broadcast_in_dim3A_135 : vector<16x1xi32> to vector<16xi32>
      %gather3A_137 = tpu.dynamic_gather %select_n3A_119[%gather3A_136] in [0] : vector<16xf32>, vector<16xi32> -> vector<16xf32>
      %broadcast_in_dim3A_138 = vector.shape_cast %xor3A_134 : vector<16xi32> to vector<16x1xi32>
      %gather3A_139 = vector.shape_cast %broadcast_in_dim3A_138 : vector<16x1xi32> to vector<16xi32>
      %gather3A_140 = tpu.dynamic_gather %select_n3A_120[%gather3A_139] in [0] : vector<16xf32>, vector<16xi32> -> vector<16xf32>
      %broadcast_in_dim3A_141 = vector.shape_cast %xor3A_134 : vector<16xi32> to vector<16x1xi32>
      %gather3A_142 = vector.shape_cast %broadcast_in_dim3A_141 : vector<16x1xi32> to vector<16xi32>
      %gather3A_143 = tpu.dynamic_gather %select_n3A_130[%gather3A_142] in [0] : vector<16xf32>, vector<16xi32> -> vector<16xf32>
      %broadcast_in_dim3A_144 = vector.shape_cast %xor3A_134 : vector<16xi32> to vector<16x1xi32>
      %gather3A_145 = vector.shape_cast %broadcast_in_dim3A_144 : vector<16x1xi32> to vector<16xi32>
      %gather3A_146 = tpu.dynamic_gather %select_n3A_131[%gather3A_145] in [0] : vector<16xf32>, vector<16xi32> -> vector<16xf32>
      %gt3A_147 = arith.cmpf ogt, %select_n3A_119, %gather3A_137 : vector<16xf32>
      %eq3A_148 = arith.cmpf oeq, %select_n3A_119, %gather3A_137 : vector<16xf32>
      %lt3A_149 = arith.cmpf olt, %select_n3A_120, %gather3A_140 : vector<16xf32>
      %and3A_150 = arith.andi %eq3A_148, %lt3A_149 : vector<16xi1>
      %or3A_151 = arith.ori %gt3A_147, %and3A_150 : vector<16xi1>
      %select_n3A_152 = arith.select %or3A_151, %select_n3A_119, %gather3A_137 : vector<16xi1>, vector<16xf32>
      %select_n3A_153 = arith.select %or3A_151, %select_n3A_120, %gather3A_140 : vector<16xi1>, vector<16xf32>
      %select_n3A_154 = arith.select %or3A_151, %gather3A_137, %select_n3A_119 : vector<16xi1>, vector<16xf32>
      %select_n3A_155 = arith.select %or3A_151, %gather3A_140, %select_n3A_120 : vector<16xi1>, vector<16xf32>
      %select_n3A_156 = arith.select %or3A_151, %select_n3A_130, %gather3A_143 : vector<16xi1>, vector<16xf32>
      %select_n3A_157 = arith.select %or3A_151, %select_n3A_131, %gather3A_146 : vector<16xi1>, vector<16xf32>
      %gt3A_158 = arith.cmpf ogt, %select_n3A_154, %select_n3A_156 : vector<16xf32>
      %eq3A_159 = arith.cmpf oeq, %select_n3A_154, %select_n3A_156 : vector<16xf32>
      %lt3A_160 = arith.cmpf olt, %select_n3A_155, %select_n3A_157 : vector<16xf32>
      %and3A_161 = arith.andi %eq3A_159, %lt3A_160 : vector<16xi1>
      %or3A_162 = arith.ori %gt3A_158, %and3A_161 : vector<16xi1>
      %select_n3A_163 = arith.select %or3A_162, %select_n3A_154, %select_n3A_156 : vector<16xi1>, vector<16xf32>
      %select_n3A_164 = arith.select %or3A_162, %select_n3A_155, %select_n3A_157 : vector<16xi1>, vector<16xf32>
      %sub3A = vector.broadcast %convert_element_type3A : f32 to vector<16xf32>
      %sub3A_165 = arith.subf %select_n3A_153, %sub3A : vector<16xf32>
      %convert_element_type3A_166 = arith.fptosi %sub3A_165 : vector<16xf32> to vector<16xi32>
      %sub3A_167 = vector.broadcast %convert_element_type3A : f32 to vector<16xf32>
      %sub3A_168 = arith.subf %select_n3A_164, %sub3A_167 : vector<16xf32>
      %convert_element_type3A_169 = arith.fptosi %sub3A_168 : vector<16xf32> to vector<16xi32>
      %gather3A_170 = tpu.vector_load_idx %arg9[%convert_element_type3A_166] : memref<1280xf32, #tpu.memory_space<vmem>>[vector<16xi32>], vector<16xf32>,
      %gather3A_171 = tpu.vector_load_idx %arg10[%convert_element_type3A_166] : memref<1280xf32, #tpu.memory_space<vmem>>[vector<16xi32>], vector<16xf32>,
      %gather3A_172 = tpu.vector_load_idx %arg11[%convert_element_type3A_166] : memref<1280xf32, #tpu.memory_space<vmem>>[vector<16xi32>], vector<16xf32>,
      %gather3A_173 = tpu.vector_load_idx %arg12[%convert_element_type3A_166] : memref<1280xf32, #tpu.memory_space<vmem>>[vector<16xi32>], vector<16xf32>,
      %gather3A_174 = tpu.vector_load_idx %arg8[%convert_element_type3A_166] : memref<1280xf32, #tpu.memory_space<vmem>>[vector<16xi32>], vector<16xf32>,
      %gather3A_175 = tpu.vector_load_idx %arg13[%convert_element_type3A_166] : memref<1280xf32, #tpu.memory_space<vmem>>[vector<16xi32>], vector<16xf32>,
      %gather3A_176 = tpu.vector_load_idx %arg9[%convert_element_type3A_169] : memref<1280xf32, #tpu.memory_space<vmem>>[vector<16xi32>], vector<16xf32>,
      %gather3A_177 = tpu.vector_load_idx %arg10[%convert_element_type3A_169] : memref<1280xf32, #tpu.memory_space<vmem>>[vector<16xi32>], vector<16xf32>,
      %gather3A_178 = tpu.vector_load_idx %arg11[%convert_element_type3A_169] : memref<1280xf32, #tpu.memory_space<vmem>>[vector<16xi32>], vector<16xf32>,
      %gather3A_179 = tpu.vector_load_idx %arg12[%convert_element_type3A_169] : memref<1280xf32, #tpu.memory_space<vmem>>[vector<16xi32>], vector<16xf32>,
      %gather3A_180 = tpu.vector_load_idx %arg8[%convert_element_type3A_169] : memref<1280xf32, #tpu.memory_space<vmem>>[vector<16xi32>], vector<16xf32>,
      %gather3A_181 = tpu.vector_load_idx %arg13[%convert_element_type3A_169] : memref<1280xf32, #tpu.memory_space<vmem>>[vector<16xi32>], vector<16xf32>,
      %eq3A_182 = arith.constant 14 : i32
      %eq3A_183 = vector.broadcast %eq3A_182 : i32 to vector<16xi32>
      %eq3A_184 = arith.cmpi eq, %iota3A, %eq3A_183 : vector<16xi32>
      %select_n3A_185 = arith.select %eq3A_184, %gather3A_180, %gather3A_181 : vector<16xi1>, vector<16xf32>
      %eq3A_186 = arith.constant 13 : i32
      %eq3A_187 = vector.broadcast %eq3A_186 : i32 to vector<16xi32>
      %eq3A_188 = arith.cmpi eq, %iota3A, %eq3A_187 : vector<16xi32>
      %select_n3A_189 = arith.select %eq3A_188, %gather3A_179, %select_n3A_185 : vector<16xi1>, vector<16xf32>
      %eq3A_190 = arith.constant 12 : i32
      %eq3A_191 = vector.broadcast %eq3A_190 : i32 to vector<16xi32>
      %eq3A_192 = arith.cmpi eq, %iota3A, %eq3A_191 : vector<16xi32>
      %select_n3A_193 = arith.select %eq3A_192, %gather3A_178, %select_n3A_189 : vector<16xi1>, vector<16xf32>
      %eq3A_194 = arith.constant 11 : i32
      %eq3A_195 = vector.broadcast %eq3A_194 : i32 to vector<16xi32>
      %eq3A_196 = arith.cmpi eq, %iota3A, %eq3A_195 : vector<16xi32>
      %select_n3A_197 = arith.select %eq3A_196, %gather3A_177, %select_n3A_193 : vector<16xi1>, vector<16xf32>
      %eq3A_198 = arith.constant 10 : i32
      %eq3A_199 = vector.broadcast %eq3A_198 : i32 to vector<16xi32>
      %eq3A_200 = arith.cmpi eq, %iota3A, %eq3A_199 : vector<16xi32>
      %select_n3A_201 = arith.select %eq3A_200, %gather3A_176, %select_n3A_197 : vector<16xi1>, vector<16xf32>
      %eq3A_202 = arith.constant 9 : i32
      %eq3A_203 = vector.broadcast %eq3A_202 : i32 to vector<16xi32>
      %eq3A_204 = arith.cmpi eq, %iota3A, %eq3A_203 : vector<16xi32>
      %select_n3A_205 = arith.select %eq3A_204, %gather3A_175, %select_n3A_201 : vector<16xi1>, vector<16xf32>
      %eq3A_206 = arith.constant 8 : i32
      %eq3A_207 = vector.broadcast %eq3A_206 : i32 to vector<16xi32>
      %eq3A_208 = arith.cmpi eq, %iota3A, %eq3A_207 : vector<16xi32>
      %select_n3A_209 = arith.select %eq3A_208, %gather3A_174, %select_n3A_205 : vector<16xi1>, vector<16xf32>
      %eq3A_210 = arith.constant 7 : i32
      %eq3A_211 = vector.broadcast %eq3A_210 : i32 to vector<16xi32>
      %eq3A_212 = arith.cmpi eq, %iota3A, %eq3A_211 : vector<16xi32>
      %select_n3A_213 = arith.select %eq3A_212, %gather3A_173, %select_n3A_209 : vector<16xi1>, vector<16xf32>
      %eq3A_214 = arith.constant 6 : i32
      %eq3A_215 = vector.broadcast %eq3A_214 : i32 to vector<16xi32>
      %eq3A_216 = arith.cmpi eq, %iota3A, %eq3A_215 : vector<16xi32>
      %select_n3A_217 = arith.select %eq3A_216, %gather3A_172, %select_n3A_213 : vector<16xi1>, vector<16xf32>
      %eq3A_218 = arith.constant 5 : i32
      %eq3A_219 = vector.broadcast %eq3A_218 : i32 to vector<16xi32>
      %eq3A_220 = arith.cmpi eq, %iota3A, %eq3A_219 : vector<16xi32>
      %select_n3A_221 = arith.select %eq3A_220, %gather3A_171, %select_n3A_217 : vector<16xi1>, vector<16xf32>
      %eq3A_222 = arith.constant 4 : i32
      %eq3A_223 = vector.broadcast %eq3A_222 : i32 to vector<16xi32>
      %eq3A_224 = arith.cmpi eq, %iota3A, %eq3A_223 : vector<16xi32>
      %select_n3A_225 = arith.select %eq3A_224, %gather3A_170, %select_n3A_221 : vector<16xi1>, vector<16xf32>
      %eq3A_226 = arith.constant 3 : i32
      %eq3A_227 = vector.broadcast %eq3A_226 : i32 to vector<16xi32>
      %eq3A_228 = arith.cmpi eq, %iota3A, %eq3A_227 : vector<16xi32>
      %select_n3A_229 = arith.select %eq3A_228, %select_n3A_164, %select_n3A_225 : vector<16xi1>, vector<16xf32>
      %eq3A_230 = arith.constant 2 : i32
      %eq3A_231 = vector.broadcast %eq3A_230 : i32 to vector<16xi32>
      %eq3A_232 = arith.cmpi eq, %iota3A, %eq3A_231 : vector<16xi32>
      %select_n3A_233 = arith.select %eq3A_232, %select_n3A_163, %select_n3A_229 : vector<16xi1>, vector<16xf32>
      %eq3A_234 = arith.constant 1 : i32
      %eq3A_235 = vector.broadcast %eq3A_234 : i32 to vector<16xi32>
      %eq3A_236 = arith.cmpi eq, %iota3A, %eq3A_235 : vector<16xi32>
      %select_n3A_237 = arith.select %eq3A_236, %select_n3A_153, %select_n3A_233 : vector<16xi1>, vector<16xf32>
      %eq3A_238 = arith.constant 0 : i32
      %eq3A_239 = vector.broadcast %eq3A_238 : i32 to vector<16xi32>
      %eq3A_240 = arith.cmpi eq, %iota3A, %eq3A_239 : vector<16xi32>
      %select_n3A_241 = arith.select %eq3A_240, %select_n3A_152, %select_n3A_237 : vector<16xi1>, vector<16xf32>
      %swap3A = arith.constant 0 : index
      %swap3A_242 = tpu.vector_load %arg16[%swap3A] {strides = array<i32>} : memref<16xf32, #tpu.memory_space<vmem>>, vector<16xf32>,
      tpu.vector_store %arg16[%swap3A], %select_n3A_241 {strides = array<i32>} : memref<16xf32, #tpu.memory_space<vmem>>, vector<16xf32>,
      %jit3A = arith.constant 2 : i32
      %eq3A_243 = arith.constant 0 : i32
      %eq3A_244 = arith.cmpi eq, %jit3A, %eq3A_243 : i32
      %jit3A_245 = arith.constant 1 : i32
      %select_n3A_246 = arith.select %eq3A_244, %jit3A_245, %jit3A : i32
      %rem3A = arith.remsi %while3A_33, %select_n3A_246 : i32
      %ne3A = arith.constant 0 : i32
      %ne3A_247 = arith.cmpi ne, %rem3A, %ne3A : i32
      %lt3A_248 = arith.constant 0 : i32
      %lt3A_249 = arith.cmpi slt, %rem3A, %lt3A_248 : i32
      %lt3A_250 = arith.constant 0 : i32
      %lt3A_251 = arith.cmpi slt, %select_n3A_246, %lt3A_250 : i32
      %ne3A_252 = arith.xori %lt3A_249, %lt3A_251 : i1
      %and3A_253 = arith.andi %ne3A_252, %ne3A_247 : i1
      %add3A_254 = arith.addi %rem3A, %select_n3A_246 : i32
      %select_n3A_255 = arith.select %and3A_253, %add3A_254, %rem3A : i32
      %mul3A_256 = arith.constant 256 : i32
      %mul3A_257 = arith.muli %select_n3A_255, %mul3A_256 : i32
      %mul3A_258 = arith.constant 16 : i32
      %mul3A_259 = arith.muli %arg1, %mul3A_258 : i32
      %add3A_260 = arith.addi %mul3A_257, %mul3A_259 : i32
      "tpu.region"() ({
        %run_scoped3A = tpu.sem_alloc : memref<!tpu.dma_semaphore, #tpu.memory_space<semaphore_mem>>
        %dma_start3A = tpu.memref_slice %arg18[%add3A_260] : memref<512xf32, #tpu.memory_space<vmem_shared>> -> memref<16xf32, #tpu.memory_space<vmem_shared>>
        %dma_start3A_623 = tpu.memref_slice %arg18[%add3A_260] : memref<512xf32, #tpu.memory_space<vmem_shared>> -> memref<16xf32, #tpu.memory_space<vmem_shared>>
        tpu.enqueue_dma source(%arg16 : memref<16xf32, #tpu.memory_space<vmem>>) target(%dma_start3A_623 : memref<16xf32, #tpu.memory_space<vmem_shared>>) target_semaphore(%run_scoped3A : memref<!tpu.dma_semaphore, #tpu.memory_space<semaphore_mem>>)
        %dma_wait3A = tpu.memref_slice %arg18[%add3A_260] : memref<512xf32, #tpu.memory_space<vmem_shared>> -> memref<16xf32, #tpu.memory_space<vmem_shared>>
        %dma_wait3A_624 = tpu.memref_slice %arg18[%add3A_260] : memref<512xf32, #tpu.memory_space<vmem_shared>> -> memref<16xf32, #tpu.memory_space<vmem_shared>>
        tpu.wait_dma2 semaphore(%run_scoped3A : memref<!tpu.dma_semaphore, #tpu.memory_space<semaphore_mem>>) src(%arg16 : memref<16xf32, #tpu.memory_space<vmem>>) dst(%dma_wait3A_624 : memref<16xf32, #tpu.memory_space<vmem_shared>>)
        tpu.yield
      }) : () -> ()
      %barrier3A = arith.constant 0 : index
      tpu.barrier barrier_id(%barrier3A)
      "tpu.region"() ({
        %run_scoped3A = tpu.sem_alloc : memref<!tpu.dma_semaphore, #tpu.memory_space<semaphore_mem>>
        %dma_start3A = tpu.memref_slice %arg18[%mul3A_257] : memref<512xf32, #tpu.memory_space<vmem_shared>> -> memref<256xf32, #tpu.memory_space<vmem_shared>>
        %dma_start3A_623 = tpu.memref_slice %arg18[%mul3A_257] : memref<512xf32, #tpu.memory_space<vmem_shared>> -> memref<256xf32, #tpu.memory_space<vmem_shared>>
        tpu.enqueue_dma source(%dma_start3A_623 : memref<256xf32, #tpu.memory_space<vmem_shared>>) target(%arg15 : memref<256xf32, #tpu.memory_space<vmem>>) target_semaphore(%run_scoped3A : memref<!tpu.dma_semaphore, #tpu.memory_space<semaphore_mem>>)
        %dma_wait3A = tpu.memref_slice %arg18[%mul3A_257] : memref<512xf32, #tpu.memory_space<vmem_shared>> -> memref<256xf32, #tpu.memory_space<vmem_shared>>
        %dma_wait3A_624 = tpu.memref_slice %arg18[%mul3A_257] : memref<512xf32, #tpu.memory_space<vmem_shared>> -> memref<256xf32, #tpu.memory_space<vmem_shared>>
        tpu.wait_dma2 semaphore(%run_scoped3A : memref<!tpu.dma_semaphore, #tpu.memory_space<semaphore_mem>>) src(%dma_wait3A_624 : memref<256xf32, #tpu.memory_space<vmem_shared>>) dst(%arg15 : memref<256xf32, #tpu.memory_space<vmem>>)
        tpu.yield
      }) : () -> ()
      %mul3A_261 = arith.constant 16 : i32
      %mul3A_262 = vector.broadcast %mul3A_261 : i32 to vector<16xi32>
      %mul3A_263 = arith.muli %iota3A, %mul3A_262 : vector<16xi32>
      %gather3A_264 = tpu.vector_load_idx %arg15[%mul3A_263] : memref<256xf32, #tpu.memory_space<vmem>>[vector<16xi32>], vector<16xf32>,
      %mul3A_265 = arith.constant 16 : i32
      %mul3A_266 = vector.broadcast %mul3A_265 : i32 to vector<16xi32>
      %mul3A_267 = arith.muli %iota3A, %mul3A_266 : vector<16xi32>
      %add3A_268 = arith.constant 1 : i32
      %add3A_269 = vector.broadcast %add3A_268 : i32 to vector<16xi32>
      %add3A_270 = arith.addi %mul3A_267, %add3A_269 : vector<16xi32>
      %gather3A_271 = tpu.vector_load_idx %arg15[%add3A_270] : memref<256xf32, #tpu.memory_space<vmem>>[vector<16xi32>], vector<16xf32>,
      %mul3A_272 = arith.constant 16 : i32
      %mul3A_273 = vector.broadcast %mul3A_272 : i32 to vector<16xi32>
      %mul3A_274 = arith.muli %iota3A, %mul3A_273 : vector<16xi32>
      %add3A_275 = arith.constant 2 : i32
      %add3A_276 = vector.broadcast %add3A_275 : i32 to vector<16xi32>
      %add3A_277 = arith.addi %mul3A_274, %add3A_276 : vector<16xi32>
      %gather3A_278 = tpu.vector_load_idx %arg15[%add3A_277] : memref<256xf32, #tpu.memory_space<vmem>>[vector<16xi32>], vector<16xf32>,
      %mul3A_279 = arith.constant 16 : i32
      %mul3A_280 = vector.broadcast %mul3A_279 : i32 to vector<16xi32>
      %mul3A_281 = arith.muli %iota3A, %mul3A_280 : vector<16xi32>
      %add3A_282 = arith.constant 3 : i32
      %add3A_283 = vector.broadcast %add3A_282 : i32 to vector<16xi32>
      %add3A_284 = arith.addi %mul3A_281, %add3A_283 : vector<16xi32>
      %gather3A_285 = tpu.vector_load_idx %arg15[%add3A_284] : memref<256xf32, #tpu.memory_space<vmem>>[vector<16xi32>], vector<16xf32>,
      %mul3A_286 = arith.constant 16 : i32
      %mul3A_287 = vector.broadcast %mul3A_286 : i32 to vector<16xi32>
      %mul3A_288 = arith.muli %iota3A, %mul3A_287 : vector<16xi32>
      %add3A_289 = arith.constant 4 : i32
      %add3A_290 = vector.broadcast %add3A_289 : i32 to vector<16xi32>
      %add3A_291 = arith.addi %mul3A_288, %add3A_290 : vector<16xi32>
      %mul3A_292 = arith.constant 16 : i32
      %mul3A_293 = vector.broadcast %mul3A_292 : i32 to vector<16xi32>
      %mul3A_294 = arith.muli %iota3A, %mul3A_293 : vector<16xi32>
      %add3A_295 = arith.constant 10 : i32
      %add3A_296 = vector.broadcast %add3A_295 : i32 to vector<16xi32>
      %add3A_297 = arith.addi %mul3A_294, %add3A_296 : vector<16xi32>
      %xor3A_298 = arith.constant 8 : i32
      %xor3A_299 = vector.broadcast %xor3A_298 : i32 to vector<16xi32>
      %xor3A_300 = arith.xori %iota3A, %xor3A_299 : vector<16xi32>
      %broadcast_in_dim3A_301 = vector.shape_cast %xor3A_300 : vector<16xi32> to vector<16x1xi32>
      %gather3A_302 = vector.shape_cast %broadcast_in_dim3A_301 : vector<16x1xi32> to vector<16xi32>
      %gather3A_303 = tpu.dynamic_gather %gather3A_264[%gather3A_302] in [0] : vector<16xf32>, vector<16xi32> -> vector<16xf32>
      %broadcast_in_dim3A_304 = vector.shape_cast %xor3A_300 : vector<16xi32> to vector<16x1xi32>
      %gather3A_305 = vector.shape_cast %broadcast_in_dim3A_304 : vector<16x1xi32> to vector<16xi32>
      %gather3A_306 = tpu.dynamic_gather %gather3A_271[%gather3A_305] in [0] : vector<16xf32>, vector<16xi32> -> vector<16xf32>
      %broadcast_in_dim3A_307 = vector.shape_cast %xor3A_300 : vector<16xi32> to vector<16x1xi32>
      %gather3A_308 = vector.shape_cast %broadcast_in_dim3A_307 : vector<16x1xi32> to vector<16xi32>
      %gather3A_309 = tpu.dynamic_gather %add3A_291[%gather3A_308] in [0] : vector<16xi32>, vector<16xi32> -> vector<16xi32>
      %broadcast_in_dim3A_310 = vector.shape_cast %xor3A_300 : vector<16xi32> to vector<16x1xi32>
      %gather3A_311 = vector.shape_cast %broadcast_in_dim3A_310 : vector<16x1xi32> to vector<16xi32>
      %gather3A_312 = tpu.dynamic_gather %gather3A_278[%gather3A_311] in [0] : vector<16xf32>, vector<16xi32> -> vector<16xf32>
      %broadcast_in_dim3A_313 = vector.shape_cast %xor3A_300 : vector<16xi32> to vector<16x1xi32>
      %gather3A_314 = vector.shape_cast %broadcast_in_dim3A_313 : vector<16x1xi32> to vector<16xi32>
      %gather3A_315 = tpu.dynamic_gather %gather3A_285[%gather3A_314] in [0] : vector<16xf32>, vector<16xi32> -> vector<16xf32>
      %broadcast_in_dim3A_316 = vector.shape_cast %xor3A_300 : vector<16xi32> to vector<16x1xi32>
      %gather3A_317 = vector.shape_cast %broadcast_in_dim3A_316 : vector<16x1xi32> to vector<16xi32>
      %gather3A_318 = tpu.dynamic_gather %add3A_297[%gather3A_317] in [0] : vector<16xi32>, vector<16xi32> -> vector<16xi32>
      %gt3A_319 = arith.cmpf ogt, %gather3A_264, %gather3A_303 : vector<16xf32>
      %eq3A_320 = arith.cmpf oeq, %gather3A_264, %gather3A_303 : vector<16xf32>
      %lt3A_321 = arith.cmpf olt, %gather3A_271, %gather3A_306 : vector<16xf32>
      %and3A_322 = arith.andi %eq3A_320, %lt3A_321 : vector<16xi1>
      %or3A_323 = arith.ori %gt3A_319, %and3A_322 : vector<16xi1>
      %select_n3A_324 = arith.select %or3A_323, %gather3A_264, %gather3A_303 : vector<16xi1>, vector<16xf32>
      %select_n3A_325 = arith.select %or3A_323, %gather3A_271, %gather3A_306 : vector<16xi1>, vector<16xf32>
      %select_n3A_326 = arith.select %or3A_323, %add3A_291, %gather3A_309 : vector<16xi1>, vector<16xi32>
      %select_n3A_327 = arith.select %or3A_323, %gather3A_303, %gather3A_264 : vector<16xi1>, vector<16xf32>
      %select_n3A_328 = arith.select %or3A_323, %gather3A_306, %gather3A_271 : vector<16xi1>, vector<16xf32>
      %select_n3A_329 = arith.select %or3A_323, %gather3A_309, %add3A_291 : vector<16xi1>, vector<16xi32>
      %select_n3A_330 = arith.select %or3A_323, %gather3A_278, %gather3A_312 : vector<16xi1>, vector<16xf32>
      %select_n3A_331 = arith.select %or3A_323, %gather3A_285, %gather3A_315 : vector<16xi1>, vector<16xf32>
      %select_n3A_332 = arith.select %or3A_323, %add3A_297, %gather3A_318 : vector<16xi1>, vector<16xi32>
      %gt3A_333 = arith.cmpf ogt, %select_n3A_327, %select_n3A_330 : vector<16xf32>
      %eq3A_334 = arith.cmpf oeq, %select_n3A_327, %select_n3A_330 : vector<16xf32>
      %lt3A_335 = arith.cmpf olt, %select_n3A_328, %select_n3A_331 : vector<16xf32>
      %and3A_336 = arith.andi %eq3A_334, %lt3A_335 : vector<16xi1>
      %or3A_337 = arith.ori %gt3A_333, %and3A_336 : vector<16xi1>
      %select_n3A_338 = arith.select %or3A_337, %select_n3A_327, %select_n3A_330 : vector<16xi1>, vector<16xf32>
      %select_n3A_339 = arith.select %or3A_337, %select_n3A_328, %select_n3A_331 : vector<16xi1>, vector<16xf32>
      %select_n3A_340 = arith.select %or3A_337, %select_n3A_329, %select_n3A_332 : vector<16xi1>, vector<16xi32>
      %xor3A_341 = arith.constant 4 : i32
      %xor3A_342 = vector.broadcast %xor3A_341 : i32 to vector<16xi32>
      %xor3A_343 = arith.xori %iota3A, %xor3A_342 : vector<16xi32>
      %broadcast_in_dim3A_344 = vector.shape_cast %xor3A_343 : vector<16xi32> to vector<16x1xi32>
      %gather3A_345 = vector.shape_cast %broadcast_in_dim3A_344 : vector<16x1xi32> to vector<16xi32>
      %gather3A_346 = tpu.dynamic_gather %select_n3A_324[%gather3A_345] in [0] : vector<16xf32>, vector<16xi32> -> vector<16xf32>
      %broadcast_in_dim3A_347 = vector.shape_cast %xor3A_343 : vector<16xi32> to vector<16x1xi32>
      %gather3A_348 = vector.shape_cast %broadcast_in_dim3A_347 : vector<16x1xi32> to vector<16xi32>
      %gather3A_349 = tpu.dynamic_gather %select_n3A_325[%gather3A_348] in [0] : vector<16xf32>, vector<16xi32> -> vector<16xf32>
      %broadcast_in_dim3A_350 = vector.shape_cast %xor3A_343 : vector<16xi32> to vector<16x1xi32>
      %gather3A_351 = vector.shape_cast %broadcast_in_dim3A_350 : vector<16x1xi32> to vector<16xi32>
      %gather3A_352 = tpu.dynamic_gather %select_n3A_326[%gather3A_351] in [0] : vector<16xi32>, vector<16xi32> -> vector<16xi32>
      %broadcast_in_dim3A_353 = vector.shape_cast %xor3A_343 : vector<16xi32> to vector<16x1xi32>
      %gather3A_354 = vector.shape_cast %broadcast_in_dim3A_353 : vector<16x1xi32> to vector<16xi32>
      %gather3A_355 = tpu.dynamic_gather %select_n3A_338[%gather3A_354] in [0] : vector<16xf32>, vector<16xi32> -> vector<16xf32>
      %broadcast_in_dim3A_356 = vector.shape_cast %xor3A_343 : vector<16xi32> to vector<16x1xi32>
      %gather3A_357 = vector.shape_cast %broadcast_in_dim3A_356 : vector<16x1xi32> to vector<16xi32>
      %gather3A_358 = tpu.dynamic_gather %select_n3A_339[%gather3A_357] in [0] : vector<16xf32>, vector<16xi32> -> vector<16xf32>
      %broadcast_in_dim3A_359 = vector.shape_cast %xor3A_343 : vector<16xi32> to vector<16x1xi32>
      %gather3A_360 = vector.shape_cast %broadcast_in_dim3A_359 : vector<16x1xi32> to vector<16xi32>
      %gather3A_361 = tpu.dynamic_gather %select_n3A_340[%gather3A_360] in [0] : vector<16xi32>, vector<16xi32> -> vector<16xi32>
      %gt3A_362 = arith.cmpf ogt, %select_n3A_324, %gather3A_346 : vector<16xf32>
      %eq3A_363 = arith.cmpf oeq, %select_n3A_324, %gather3A_346 : vector<16xf32>
      %lt3A_364 = arith.cmpf olt, %select_n3A_325, %gather3A_349 : vector<16xf32>
      %and3A_365 = arith.andi %eq3A_363, %lt3A_364 : vector<16xi1>
      %or3A_366 = arith.ori %gt3A_362, %and3A_365 : vector<16xi1>
      %select_n3A_367 = arith.select %or3A_366, %select_n3A_324, %gather3A_346 : vector<16xi1>, vector<16xf32>
      %select_n3A_368 = arith.select %or3A_366, %select_n3A_325, %gather3A_349 : vector<16xi1>, vector<16xf32>
      %select_n3A_369 = arith.select %or3A_366, %select_n3A_326, %gather3A_352 : vector<16xi1>, vector<16xi32>
      %select_n3A_370 = arith.select %or3A_366, %gather3A_346, %select_n3A_324 : vector<16xi1>, vector<16xf32>
      %select_n3A_371 = arith.select %or3A_366, %gather3A_349, %select_n3A_325 : vector<16xi1>, vector<16xf32>
      %select_n3A_372 = arith.select %or3A_366, %gather3A_352, %select_n3A_326 : vector<16xi1>, vector<16xi32>
      %select_n3A_373 = arith.select %or3A_366, %select_n3A_338, %gather3A_355 : vector<16xi1>, vector<16xf32>
      %select_n3A_374 = arith.select %or3A_366, %select_n3A_339, %gather3A_358 : vector<16xi1>, vector<16xf32>
      %select_n3A_375 = arith.select %or3A_366, %select_n3A_340, %gather3A_361 : vector<16xi1>, vector<16xi32>
      %gt3A_376 = arith.cmpf ogt, %select_n3A_370, %select_n3A_373 : vector<16xf32>
      %eq3A_377 = arith.cmpf oeq, %select_n3A_370, %select_n3A_373 : vector<16xf32>
      %lt3A_378 = arith.cmpf olt, %select_n3A_371, %select_n3A_374 : vector<16xf32>
      %and3A_379 = arith.andi %eq3A_377, %lt3A_378 : vector<16xi1>
      %or3A_380 = arith.ori %gt3A_376, %and3A_379 : vector<16xi1>
      %select_n3A_381 = arith.select %or3A_380, %select_n3A_370, %select_n3A_373 : vector<16xi1>, vector<16xf32>
      %select_n3A_382 = arith.select %or3A_380, %select_n3A_371, %select_n3A_374 : vector<16xi1>, vector<16xf32>
      %select_n3A_383 = arith.select %or3A_380, %select_n3A_372, %select_n3A_375 : vector<16xi1>, vector<16xi32>
      %xor3A_384 = arith.constant 2 : i32
      %xor3A_385 = vector.broadcast %xor3A_384 : i32 to vector<16xi32>
      %xor3A_386 = arith.xori %iota3A, %xor3A_385 : vector<16xi32>
      %broadcast_in_dim3A_387 = vector.shape_cast %xor3A_386 : vector<16xi32> to vector<16x1xi32>
      %gather3A_388 = vector.shape_cast %broadcast_in_dim3A_387 : vector<16x1xi32> to vector<16xi32>
      %gather3A_389 = tpu.dynamic_gather %select_n3A_367[%gather3A_388] in [0] : vector<16xf32>, vector<16xi32> -> vector<16xf32>
      %broadcast_in_dim3A_390 = vector.shape_cast %xor3A_386 : vector<16xi32> to vector<16x1xi32>
      %gather3A_391 = vector.shape_cast %broadcast_in_dim3A_390 : vector<16x1xi32> to vector<16xi32>
      %gather3A_392 = tpu.dynamic_gather %select_n3A_368[%gather3A_391] in [0] : vector<16xf32>, vector<16xi32> -> vector<16xf32>
      %broadcast_in_dim3A_393 = vector.shape_cast %xor3A_386 : vector<16xi32> to vector<16x1xi32>
      %gather3A_394 = vector.shape_cast %broadcast_in_dim3A_393 : vector<16x1xi32> to vector<16xi32>
      %gather3A_395 = tpu.dynamic_gather %select_n3A_369[%gather3A_394] in [0] : vector<16xi32>, vector<16xi32> -> vector<16xi32>
      %broadcast_in_dim3A_396 = vector.shape_cast %xor3A_386 : vector<16xi32> to vector<16x1xi32>
      %gather3A_397 = vector.shape_cast %broadcast_in_dim3A_396 : vector<16x1xi32> to vector<16xi32>
      %gather3A_398 = tpu.dynamic_gather %select_n3A_381[%gather3A_397] in [0] : vector<16xf32>, vector<16xi32> -> vector<16xf32>
      %broadcast_in_dim3A_399 = vector.shape_cast %xor3A_386 : vector<16xi32> to vector<16x1xi32>
      %gather3A_400 = vector.shape_cast %broadcast_in_dim3A_399 : vector<16x1xi32> to vector<16xi32>
      %gather3A_401 = tpu.dynamic_gather %select_n3A_382[%gather3A_400] in [0] : vector<16xf32>, vector<16xi32> -> vector<16xf32>
      %broadcast_in_dim3A_402 = vector.shape_cast %xor3A_386 : vector<16xi32> to vector<16x1xi32>
      %gather3A_403 = vector.shape_cast %broadcast_in_dim3A_402 : vector<16x1xi32> to vector<16xi32>
      %gather3A_404 = tpu.dynamic_gather %select_n3A_383[%gather3A_403] in [0] : vector<16xi32>, vector<16xi32> -> vector<16xi32>
      %gt3A_405 = arith.cmpf ogt, %select_n3A_367, %gather3A_389 : vector<16xf32>
      %eq3A_406 = arith.cmpf oeq, %select_n3A_367, %gather3A_389 : vector<16xf32>
      %lt3A_407 = arith.cmpf olt, %select_n3A_368, %gather3A_392 : vector<16xf32>
      %and3A_408 = arith.andi %eq3A_406, %lt3A_407 : vector<16xi1>
      %or3A_409 = arith.ori %gt3A_405, %and3A_408 : vector<16xi1>
      %select_n3A_410 = arith.select %or3A_409, %select_n3A_367, %gather3A_389 : vector<16xi1>, vector<16xf32>
      %select_n3A_411 = arith.select %or3A_409, %select_n3A_368, %gather3A_392 : vector<16xi1>, vector<16xf32>
      %select_n3A_412 = arith.select %or3A_409, %select_n3A_369, %gather3A_395 : vector<16xi1>, vector<16xi32>
      %select_n3A_413 = arith.select %or3A_409, %gather3A_389, %select_n3A_367 : vector<16xi1>, vector<16xf32>
      %select_n3A_414 = arith.select %or3A_409, %gather3A_392, %select_n3A_368 : vector<16xi1>, vector<16xf32>
      %select_n3A_415 = arith.select %or3A_409, %gather3A_395, %select_n3A_369 : vector<16xi1>, vector<16xi32>
      %select_n3A_416 = arith.select %or3A_409, %select_n3A_381, %gather3A_398 : vector<16xi1>, vector<16xf32>
      %select_n3A_417 = arith.select %or3A_409, %select_n3A_382, %gather3A_401 : vector<16xi1>, vector<16xf32>
      %select_n3A_418 = arith.select %or3A_409, %select_n3A_383, %gather3A_404 : vector<16xi1>, vector<16xi32>
      %gt3A_419 = arith.cmpf ogt, %select_n3A_413, %select_n3A_416 : vector<16xf32>
      %eq3A_420 = arith.cmpf oeq, %select_n3A_413, %select_n3A_416 : vector<16xf32>
      %lt3A_421 = arith.cmpf olt, %select_n3A_414, %select_n3A_417 : vector<16xf32>
      %and3A_422 = arith.andi %eq3A_420, %lt3A_421 : vector<16xi1>
      %or3A_423 = arith.ori %gt3A_419, %and3A_422 : vector<16xi1>
      %select_n3A_424 = arith.select %or3A_423, %select_n3A_413, %select_n3A_416 : vector<16xi1>, vector<16xf32>
      %select_n3A_425 = arith.select %or3A_423, %select_n3A_414, %select_n3A_417 : vector<16xi1>, vector<16xf32>
      %select_n3A_426 = arith.select %or3A_423, %select_n3A_415, %select_n3A_418 : vector<16xi1>, vector<16xi32>
      %xor3A_427 = arith.constant 1 : i32
      %xor3A_428 = vector.broadcast %xor3A_427 : i32 to vector<16xi32>
      %xor3A_429 = arith.xori %iota3A, %xor3A_428 : vector<16xi32>
      %broadcast_in_dim3A_430 = vector.shape_cast %xor3A_429 : vector<16xi32> to vector<16x1xi32>
      %gather3A_431 = vector.shape_cast %broadcast_in_dim3A_430 : vector<16x1xi32> to vector<16xi32>
      %gather3A_432 = tpu.dynamic_gather %select_n3A_410[%gather3A_431] in [0] : vector<16xf32>, vector<16xi32> -> vector<16xf32>
      %broadcast_in_dim3A_433 = vector.shape_cast %xor3A_429 : vector<16xi32> to vector<16x1xi32>
      %gather3A_434 = vector.shape_cast %broadcast_in_dim3A_433 : vector<16x1xi32> to vector<16xi32>
      %gather3A_435 = tpu.dynamic_gather %select_n3A_411[%gather3A_434] in [0] : vector<16xf32>, vector<16xi32> -> vector<16xf32>
      %broadcast_in_dim3A_436 = vector.shape_cast %xor3A_429 : vector<16xi32> to vector<16x1xi32>
      %gather3A_437 = vector.shape_cast %broadcast_in_dim3A_436 : vector<16x1xi32> to vector<16xi32>
      %gather3A_438 = tpu.dynamic_gather %select_n3A_412[%gather3A_437] in [0] : vector<16xi32>, vector<16xi32> -> vector<16xi32>
      %broadcast_in_dim3A_439 = vector.shape_cast %xor3A_429 : vector<16xi32> to vector<16x1xi32>
      %gather3A_440 = vector.shape_cast %broadcast_in_dim3A_439 : vector<16x1xi32> to vector<16xi32>
      %gather3A_441 = tpu.dynamic_gather %select_n3A_424[%gather3A_440] in [0] : vector<16xf32>, vector<16xi32> -> vector<16xf32>
      %broadcast_in_dim3A_442 = vector.shape_cast %xor3A_429 : vector<16xi32> to vector<16x1xi32>
      %gather3A_443 = vector.shape_cast %broadcast_in_dim3A_442 : vector<16x1xi32> to vector<16xi32>
      %gather3A_444 = tpu.dynamic_gather %select_n3A_425[%gather3A_443] in [0] : vector<16xf32>, vector<16xi32> -> vector<16xf32>
      %broadcast_in_dim3A_445 = vector.shape_cast %xor3A_429 : vector<16xi32> to vector<16x1xi32>
      %gather3A_446 = vector.shape_cast %broadcast_in_dim3A_445 : vector<16x1xi32> to vector<16xi32>
      %gather3A_447 = tpu.dynamic_gather %select_n3A_426[%gather3A_446] in [0] : vector<16xi32>, vector<16xi32> -> vector<16xi32>
      %gt3A_448 = arith.cmpf ogt, %select_n3A_410, %gather3A_432 : vector<16xf32>
      %eq3A_449 = arith.cmpf oeq, %select_n3A_410, %gather3A_432 : vector<16xf32>
      %lt3A_450 = arith.cmpf olt, %select_n3A_411, %gather3A_435 : vector<16xf32>
      %and3A_451 = arith.andi %eq3A_449, %lt3A_450 : vector<16xi1>
      %or3A_452 = arith.ori %gt3A_448, %and3A_451 : vector<16xi1>
      %select_n3A_453 = arith.select %or3A_452, %select_n3A_410, %gather3A_432 : vector<16xi1>, vector<16xf32>
      %select_n3A_454 = arith.select %or3A_452, %select_n3A_411, %gather3A_435 : vector<16xi1>, vector<16xf32>
      %select_n3A_455 = arith.select %or3A_452, %select_n3A_412, %gather3A_438 : vector<16xi1>, vector<16xi32>
      %select_n3A_456 = arith.select %or3A_452, %gather3A_432, %select_n3A_410 : vector<16xi1>, vector<16xf32>
      %select_n3A_457 = arith.select %or3A_452, %gather3A_435, %select_n3A_411 : vector<16xi1>, vector<16xf32>
      %select_n3A_458 = arith.select %or3A_452, %gather3A_438, %select_n3A_412 : vector<16xi1>, vector<16xi32>
      %select_n3A_459 = arith.select %or3A_452, %select_n3A_424, %gather3A_441 : vector<16xi1>, vector<16xf32>
      %select_n3A_460 = arith.select %or3A_452, %select_n3A_425, %gather3A_444 : vector<16xi1>, vector<16xf32>
      %select_n3A_461 = arith.select %or3A_452, %select_n3A_426, %gather3A_447 : vector<16xi1>, vector<16xi32>
      %gt3A_462 = arith.cmpf ogt, %select_n3A_456, %select_n3A_459 : vector<16xf32>
      %eq3A_463 = arith.cmpf oeq, %select_n3A_456, %select_n3A_459 : vector<16xf32>
      %lt3A_464 = arith.cmpf olt, %select_n3A_457, %select_n3A_460 : vector<16xf32>
      %and3A_465 = arith.andi %eq3A_463, %lt3A_464 : vector<16xi1>
      %or3A_466 = arith.ori %gt3A_462, %and3A_465 : vector<16xi1>
      %select_n3A_467 = arith.select %or3A_466, %select_n3A_456, %select_n3A_459 : vector<16xi1>, vector<16xf32>
      %select_n3A_468 = arith.select %or3A_466, %select_n3A_457, %select_n3A_460 : vector<16xi1>, vector<16xf32>
      %select_n3A_469 = arith.select %or3A_466, %select_n3A_458, %select_n3A_461 : vector<16xi1>, vector<16xi32>
      %gather3A_470 = tpu.vector_load_idx %arg15[%select_n3A_455] : memref<256xf32, #tpu.memory_space<vmem>>[vector<16xi32>], vector<16xf32>,
      %add3A_471 = arith.constant 1 : i32
      %add3A_472 = vector.broadcast %add3A_471 : i32 to vector<16xi32>
      %add3A_473 = arith.addi %select_n3A_455, %add3A_472 : vector<16xi32>
      %gather3A_474 = tpu.vector_load_idx %arg15[%add3A_473] : memref<256xf32, #tpu.memory_space<vmem>>[vector<16xi32>], vector<16xf32>,
      %add3A_475 = arith.constant 2 : i32
      %add3A_476 = vector.broadcast %add3A_475 : i32 to vector<16xi32>
      %add3A_477 = arith.addi %select_n3A_455, %add3A_476 : vector<16xi32>
      %gather3A_478 = tpu.vector_load_idx %arg15[%add3A_477] : memref<256xf32, #tpu.memory_space<vmem>>[vector<16xi32>], vector<16xf32>,
      %add3A_479 = arith.constant 3 : i32
      %add3A_480 = vector.broadcast %add3A_479 : i32 to vector<16xi32>
      %add3A_481 = arith.addi %select_n3A_455, %add3A_480 : vector<16xi32>
      %gather3A_482 = tpu.vector_load_idx %arg15[%add3A_481] : memref<256xf32, #tpu.memory_space<vmem>>[vector<16xi32>], vector<16xf32>,
      %add3A_483 = arith.constant 4 : i32
      %add3A_484 = vector.broadcast %add3A_483 : i32 to vector<16xi32>
      %add3A_485 = arith.addi %select_n3A_455, %add3A_484 : vector<16xi32>
      %gather3A_486 = tpu.vector_load_idx %arg15[%add3A_485] : memref<256xf32, #tpu.memory_space<vmem>>[vector<16xi32>], vector<16xf32>,
      %add3A_487 = arith.constant 5 : i32
      %add3A_488 = vector.broadcast %add3A_487 : i32 to vector<16xi32>
      %add3A_489 = arith.addi %select_n3A_455, %add3A_488 : vector<16xi32>
      %gather3A_490 = tpu.vector_load_idx %arg15[%add3A_489] : memref<256xf32, #tpu.memory_space<vmem>>[vector<16xi32>], vector<16xf32>,
      %gather3A_491 = tpu.vector_load_idx %arg15[%select_n3A_469] : memref<256xf32, #tpu.memory_space<vmem>>[vector<16xi32>], vector<16xf32>,
      %add3A_492 = arith.constant 1 : i32
      %add3A_493 = vector.broadcast %add3A_492 : i32 to vector<16xi32>
      %add3A_494 = arith.addi %select_n3A_469, %add3A_493 : vector<16xi32>
      %gather3A_495 = tpu.vector_load_idx %arg15[%add3A_494] : memref<256xf32, #tpu.memory_space<vmem>>[vector<16xi32>], vector<16xf32>,
      %add3A_496 = arith.constant 2 : i32
      %add3A_497 = vector.broadcast %add3A_496 : i32 to vector<16xi32>
      %add3A_498 = arith.addi %select_n3A_469, %add3A_497 : vector<16xi32>
      %gather3A_499 = tpu.vector_load_idx %arg15[%add3A_498] : memref<256xf32, #tpu.memory_space<vmem>>[vector<16xi32>], vector<16xf32>,
      %add3A_500 = arith.constant 3 : i32
      %add3A_501 = vector.broadcast %add3A_500 : i32 to vector<16xi32>
      %add3A_502 = arith.addi %select_n3A_469, %add3A_501 : vector<16xi32>
      %gather3A_503 = tpu.vector_load_idx %arg15[%add3A_502] : memref<256xf32, #tpu.memory_space<vmem>>[vector<16xi32>], vector<16xf32>,
      %add3A_504 = arith.constant 4 : i32
      %add3A_505 = vector.broadcast %add3A_504 : i32 to vector<16xi32>
      %add3A_506 = arith.addi %select_n3A_469, %add3A_505 : vector<16xi32>
      %gather3A_507 = tpu.vector_load_idx %arg15[%add3A_506] : memref<256xf32, #tpu.memory_space<vmem>>[vector<16xi32>], vector<16xf32>,
      %add3A_508 = arith.constant 5 : i32
      %add3A_509 = vector.broadcast %add3A_508 : i32 to vector<16xi32>
      %add3A_510 = arith.addi %select_n3A_469, %add3A_509 : vector<16xi32>
      %gather3A_511 = tpu.vector_load_idx %arg15[%add3A_510] : memref<256xf32, #tpu.memory_space<vmem>>[vector<16xi32>], vector<16xf32>,
      %max3A = arith.maximumf %gather3A_470, %gather3A_491 : vector<16xf32>
      %max3A_512 = arith.maximumf %gather3A_474, %gather3A_495 : vector<16xf32>
      %min3A = arith.minimumf %gather3A_478, %gather3A_499 : vector<16xf32>
      %min3A_513 = arith.minimumf %gather3A_482, %gather3A_503 : vector<16xf32>
      %sub3A_514 = arith.subf %min3A, %max3A : vector<16xf32>
      %add3A_515 = arith.constant 1.000000e+00 : f32
      %add3A_516 = vector.broadcast %add3A_515 : f32 to vector<16xf32>
      %add3A_517 = arith.addf %sub3A_514, %add3A_516 : vector<16xf32>
      %max3A_518 = arith.constant 0.000000e+00 : f32
      %max3A_519 = vector.broadcast %max3A_518 : f32 to vector<16xf32>
      %max3A_520 = arith.maximumf %add3A_517, %max3A_519 : vector<16xf32>
      %sub3A_521 = arith.subf %min3A_513, %max3A_512 : vector<16xf32>
      %add3A_522 = arith.constant 1.000000e+00 : f32
      %add3A_523 = vector.broadcast %add3A_522 : f32 to vector<16xf32>
      %add3A_524 = arith.addf %sub3A_521, %add3A_523 : vector<16xf32>
      %max3A_525 = arith.constant 0.000000e+00 : f32
      %max3A_526 = vector.broadcast %max3A_525 : f32 to vector<16xf32>
      %max3A_527 = arith.maximumf %add3A_524, %max3A_526 : vector<16xf32>
      %mul3A_528 = arith.mulf %max3A_520, %max3A_527 : vector<16xf32>
      %add3A_529 = arith.addf %gather3A_490, %gather3A_511 : vector<16xf32>
      %sub3A_530 = arith.subf %add3A_529, %mul3A_528 : vector<16xf32>
      %div3A = arith.divf %mul3A_528, %sub3A_530 : vector<16xf32>
      %le3A = arith.constant 5.000000e-01 : f32
      %le3A_531 = vector.broadcast %le3A : f32 to vector<16xf32>
      %le3A_532 = arith.cmpf ole, %div3A, %le3A_531 : vector<16xf32>
      %gt3A_533 = arith.constant 0xFF800000 : f32
      %gt3A_534 = vector.broadcast %gt3A_533 : f32 to vector<16xf32>
      %gt3A_535 = arith.cmpf ogt, %select_n3A_467, %gt3A_534 : vector<16xf32>
      %and3A_536 = arith.andi %le3A_532, %gt3A_535 : vector<16xi1>
      %le3A_537 = arith.constant 98 : i32
      %le3A_538 = arith.cmpi sle, %while3A_32, %le3A_537 : i32
      %broadcast_in_dim3A_539 = vector.broadcast %le3A_538 : i1 to vector<16xi1>
      %and3A_540 = arith.andi %and3A_536, %broadcast_in_dim3A_539 : vector<16xi1>
      %eq3A_541 = arith.constant 0 : i32
      %eq3A_542 = vector.broadcast %eq3A_541 : i32 to vector<16xi32>
      %eq3A_543 = arith.cmpi eq, %iota3A, %eq3A_542 : vector<16xi32>
      %eq3A_544 = arith.constant 1 : i32
      %eq3A_545 = vector.broadcast %eq3A_544 : i32 to vector<16xi32>
      %eq3A_546 = arith.cmpi eq, %iota3A, %eq3A_545 : vector<16xi32>
      %eq3A_547 = arith.constant 2 : i32
      %eq3A_548 = vector.broadcast %eq3A_547 : i32 to vector<16xi32>
      %eq3A_549 = arith.cmpi eq, %iota3A, %eq3A_548 : vector<16xi32>
      %eq3A_550 = arith.constant 3 : i32
      %eq3A_551 = vector.broadcast %eq3A_550 : i32 to vector<16xi32>
      %eq3A_552 = arith.cmpi eq, %iota3A, %eq3A_551 : vector<16xi32>
      %eq3A_553 = arith.constant 4 : i32
      %eq3A_554 = vector.broadcast %eq3A_553 : i32 to vector<16xi32>
      %eq3A_555 = arith.cmpi eq, %iota3A, %eq3A_554 : vector<16xi32>
      %jit3A_556 = arith.constant 0.000000e+00 : f32
      %broadcast_in_dim3A_557 = vector.broadcast %jit3A_556 : f32 to vector<16xf32>
      %select_n3A_558 = arith.select %eq3A_555, %gather3A_486, %broadcast_in_dim3A_557 : vector<16xi1>, vector<16xf32>
      %select_n3A_559 = arith.select %eq3A_552, %gather3A_482, %select_n3A_558 : vector<16xi1>, vector<16xf32>
      %select_n3A_560 = arith.select %eq3A_549, %gather3A_478, %select_n3A_559 : vector<16xi1>, vector<16xf32>
      %select_n3A_561 = arith.select %eq3A_546, %gather3A_474, %select_n3A_560 : vector<16xi1>, vector<16xf32>
      %select_n3A_562 = arith.select %eq3A_543, %gather3A_470, %select_n3A_561 : vector<16xi1>, vector<16xf32>
      %lt3A_563 = arith.constant 5 : i32
      %lt3A_564 = vector.broadcast %lt3A_563 : i32 to vector<16xi32>
      %lt3A_565 = arith.cmpi slt, %iota3A, %lt3A_564 : vector<16xi32>
      %mul3A_566 = arith.constant 5 : i32
      %mul3A_567 = arith.muli %while3A_32, %mul3A_566 : i32
      %add3A_568 = vector.broadcast %mul3A_567 : i32 to vector<16xi32>
      %add3A_569 = arith.addi %add3A_568, %iota3A : vector<16xi32>
      tpu.vector_store_idx %arg17[%add3A_569], %select_n3A_562 masked %lt3A_565 : memref<500xf32, #tpu.memory_space<vmem>>[vector<16xi32>], vector<16xf32>, vector<16xi1>
      %eq3A_570 = arith.constant 0 : i32
      %eq3A_571 = vector.broadcast %eq3A_570 : i32 to vector<16xi32>
      %eq3A_572 = arith.cmpi eq, %iota3A, %eq3A_571 : vector<16xi32>
      %eq3A_573 = arith.constant 1 : i32
      %eq3A_574 = vector.broadcast %eq3A_573 : i32 to vector<16xi32>
      %eq3A_575 = arith.cmpi eq, %iota3A, %eq3A_574 : vector<16xi32>
      %eq3A_576 = arith.constant 2 : i32
      %eq3A_577 = vector.broadcast %eq3A_576 : i32 to vector<16xi32>
      %eq3A_578 = arith.cmpi eq, %iota3A, %eq3A_577 : vector<16xi32>
      %eq3A_579 = arith.constant 3 : i32
      %eq3A_580 = vector.broadcast %eq3A_579 : i32 to vector<16xi32>
      %eq3A_581 = arith.cmpi eq, %iota3A, %eq3A_580 : vector<16xi32>
      %eq3A_582 = arith.constant 4 : i32
      %eq3A_583 = vector.broadcast %eq3A_582 : i32 to vector<16xi32>
      %eq3A_584 = arith.cmpi eq, %iota3A, %eq3A_583 : vector<16xi32>
      %jit3A_585 = arith.constant 0.000000e+00 : f32
      %broadcast_in_dim3A_586 = vector.broadcast %jit3A_585 : f32 to vector<16xf32>
      %select_n3A_587 = arith.select %eq3A_584, %gather3A_507, %broadcast_in_dim3A_586 : vector<16xi1>, vector<16xf32>
      %select_n3A_588 = arith.select %eq3A_581, %gather3A_503, %select_n3A_587 : vector<16xi1>, vector<16xf32>
      %select_n3A_589 = arith.select %eq3A_578, %gather3A_499, %select_n3A_588 : vector<16xi1>, vector<16xf32>
      %select_n3A_590 = arith.select %eq3A_575, %gather3A_495, %select_n3A_589 : vector<16xi1>, vector<16xf32>
      %select_n3A_591 = arith.select %eq3A_572, %gather3A_491, %select_n3A_590 : vector<16xi1>, vector<16xf32>
      %add3A_592 = arith.constant 1 : i32
      %add3A_593 = arith.addi %while3A_32, %add3A_592 : i32
      %mul3A_594 = arith.constant 5 : i32
      %mul3A_595 = arith.muli %add3A_593, %mul3A_594 : i32
      %add3A_596 = vector.broadcast %mul3A_595 : i32 to vector<16xi32>
      %add3A_597 = arith.addi %add3A_596, %iota3A : vector<16xi32>
      %and3A_598 = arith.andi %and3A_540, %lt3A_565 : vector<16xi1>
      tpu.vector_store_idx %arg17[%add3A_597], %select_n3A_591 masked %and3A_598 : memref<500xf32, #tpu.memory_space<vmem>>[vector<16xi32>], vector<16xf32>, vector<16xi1>
      %add3A_599 = arith.constant 1 : i32
      %add3A_600 = arith.addi %while3A_32, %add3A_599 : i32
      %convert_element_type3A_601 = arith.extui %and3A_540 : vector<16xi1> to vector<16xi32>
      %slice3A = vector.extract_strided_slice %convert_element_type3A_601 {offsets = [0], sizes = [1], strides = [1]} : vector<16xi32> to vector<1xi32>
      %squeeze3A = vector.extract %slice3A[0] : i32 from vector<1xi32>
      %add3A_602 = arith.addi %add3A_600, %squeeze3A : i32
      %select_n3A_603 = arith.select %and3A_540, %gather3A_491, %broadcast_in_dim3A_20 : vector<16xi1>, vector<16xf32>
      %select_n3A_604 = arith.select %and3A_540, %gather3A_495, %broadcast_in_dim3A_20 : vector<16xi1>, vector<16xf32>
      %neg3A = arith.constant 0.000000e+00 : f32
      %neg3A_605 = vector.broadcast %neg3A : f32 to vector<16xf32>
      %neg3A_606 = arith.subf %neg3A_605, %broadcast_in_dim3A_20 : vector<16xf32>
      %select_n3A_607 = arith.select %and3A_540, %gather3A_499, %neg3A_606 : vector<16xi1>, vector<16xf32>
      %neg3A_608 = arith.constant 0.000000e+00 : f32
      %neg3A_609 = vector.broadcast %neg3A_608 : f32 to vector<16xf32>
      %neg3A_610 = arith.subf %neg3A_609, %broadcast_in_dim3A_20 : vector<16xf32>
      %select_n3A_611 = arith.select %and3A_540, %gather3A_503, %neg3A_610 : vector<16xi1>, vector<16xf32>
      %select_n3A_612 = arith.select %and3A_540, %gather3A_511, %broadcast_in_dim3A_22 : vector<16xi1>, vector<16xf32>
      %broadcast_in_dim3A_613 = arith.constant 0xFF800000 : f32
      %broadcast_in_dim3A_614 = vector.broadcast %broadcast_in_dim3A_613 : f32 to vector<16xf32>
      %scan3A_615 = arith.constant 0 : i32
      %scan3A_616 = arith.constant 20 : i32
      %scan3A_617 = arith.addi %scan3A_615, %scan3A_616 : i32
      %scan3A_618 = arith.constant 1 : i32
      %scan3A_619:4 = scf.for %scan3A_623 = %scan3A_615 to %scan3A_617 step %scan3A_618 iter_args(%scan3A_624 = %broadcast_in_dim3A_614, %scan3A_625 = %add3A_2, %scan3A_626 = %broadcast_in_dim3A_614, %scan3A_627 = %add3A_2) -> (vector<16xf32>, vector<16xf32>, vector<16xf32>, vector<16xf32>)  : i32 {
        %mul3A_628 = arith.constant 64 : i32
        %mul3A_629 = arith.muli %scan3A_623, %mul3A_628 : i32
        %add3A_630 = arith.constant 0 : i32
        %add3A_631 = arith.addi %mul3A_629, %add3A_630 : i32
        %get3A = arith.index_cast %add3A_631 : i32 to index
        %get3A_632 = tpu.vector_load %arg14[%get3A] {strides = array<i32>} : memref<1280xf32, #tpu.memory_space<vmem>>, vector<16xf32>,
        %get3A_633 = arith.index_cast %add3A_631 : i32 to index
        %get3A_634 = tpu.vector_load %arg9[%get3A_633] {strides = array<i32>} : memref<1280xf32, #tpu.memory_space<vmem>>, vector<16xf32>,
        %get3A_635 = arith.index_cast %add3A_631 : i32 to index
        %get3A_636 = tpu.vector_load %arg10[%get3A_635] {strides = array<i32>} : memref<1280xf32, #tpu.memory_space<vmem>>, vector<16xf32>,
        %get3A_637 = arith.index_cast %add3A_631 : i32 to index
        %get3A_638 = tpu.vector_load %arg11[%get3A_637] {strides = array<i32>} : memref<1280xf32, #tpu.memory_space<vmem>>, vector<16xf32>,
        %get3A_639 = arith.index_cast %add3A_631 : i32 to index
        %get3A_640 = tpu.vector_load %arg12[%get3A_639] {strides = array<i32>} : memref<1280xf32, #tpu.memory_space<vmem>>, vector<16xf32>,
        %get3A_641 = arith.index_cast %add3A_631 : i32 to index
        %get3A_642 = tpu.vector_load %arg13[%get3A_641] {strides = array<i32>} : memref<1280xf32, #tpu.memory_space<vmem>>, vector<16xf32>,
        %max3A_643 = arith.maximumf %gather3A_470, %get3A_634 : vector<16xf32>
        %max3A_644 = arith.maximumf %gather3A_474, %get3A_636 : vector<16xf32>
        %min3A_645 = arith.minimumf %gather3A_478, %get3A_638 : vector<16xf32>
        %min3A_646 = arith.minimumf %gather3A_482, %get3A_640 : vector<16xf32>
        %sub3A_647 = arith.subf %min3A_645, %max3A_643 : vector<16xf32>
        %add3A_648 = arith.constant 1.000000e+00 : f32
        %add3A_649 = vector.broadcast %add3A_648 : f32 to vector<16xf32>
        %add3A_650 = arith.addf %sub3A_647, %add3A_649 : vector<16xf32>
        %max3A_651 = arith.constant 0.000000e+00 : f32
        %max3A_652 = vector.broadcast %max3A_651 : f32 to vector<16xf32>
        %max3A_653 = arith.maximumf %add3A_650, %max3A_652 : vector<16xf32>
        %sub3A_654 = arith.subf %min3A_646, %max3A_644 : vector<16xf32>
        %add3A_655 = arith.constant 1.000000e+00 : f32
        %add3A_656 = vector.broadcast %add3A_655 : f32 to vector<16xf32>
        %add3A_657 = arith.addf %sub3A_654, %add3A_656 : vector<16xf32>
        %max3A_658 = arith.constant 0.000000e+00 : f32
        %max3A_659 = vector.broadcast %max3A_658 : f32 to vector<16xf32>
        %max3A_660 = arith.maximumf %add3A_657, %max3A_659 : vector<16xf32>
        %mul3A_661 = arith.mulf %max3A_653, %max3A_660 : vector<16xf32>
        %add3A_662 = arith.addf %gather3A_490, %get3A_642 : vector<16xf32>
        %sub3A_663 = arith.subf %add3A_662, %mul3A_661 : vector<16xf32>
        %div3A_664 = arith.divf %mul3A_661, %sub3A_663 : vector<16xf32>
        %max3A_665 = arith.maximumf %select_n3A_603, %get3A_634 : vector<16xf32>
        %max3A_666 = arith.maximumf %select_n3A_604, %get3A_636 : vector<16xf32>
        %min3A_667 = arith.minimumf %select_n3A_607, %get3A_638 : vector<16xf32>
        %min3A_668 = arith.minimumf %select_n3A_611, %get3A_640 : vector<16xf32>
        %sub3A_669 = arith.subf %min3A_667, %max3A_665 : vector<16xf32>
        %add3A_670 = arith.constant 1.000000e+00 : f32
        %add3A_671 = vector.broadcast %add3A_670 : f32 to vector<16xf32>
        %add3A_672 = arith.addf %sub3A_669, %add3A_671 : vector<16xf32>
        %max3A_673 = arith.constant 0.000000e+00 : f32
        %max3A_674 = vector.broadcast %max3A_673 : f32 to vector<16xf32>
        %max3A_675 = arith.maximumf %add3A_672, %max3A_674 : vector<16xf32>
        %sub3A_676 = arith.subf %min3A_668, %max3A_666 : vector<16xf32>
        %add3A_677 = arith.constant 1.000000e+00 : f32
        %add3A_678 = vector.broadcast %add3A_677 : f32 to vector<16xf32>
        %add3A_679 = arith.addf %sub3A_676, %add3A_678 : vector<16xf32>
        %max3A_680 = arith.constant 0.000000e+00 : f32
        %max3A_681 = vector.broadcast %max3A_680 : f32 to vector<16xf32>
        %max3A_682 = arith.maximumf %add3A_679, %max3A_681 : vector<16xf32>
        %mul3A_683 = arith.mulf %max3A_675, %max3A_682 : vector<16xf32>
        %add3A_684 = arith.addf %select_n3A_612, %get3A_642 : vector<16xf32>
        %sub3A_685 = arith.subf %add3A_684, %mul3A_683 : vector<16xf32>
        %div3A_686 = arith.divf %mul3A_683, %sub3A_685 : vector<16xf32>
        %gt3A_687 = arith.constant 5.000000e-01 : f32
        %gt3A_688 = vector.broadcast %gt3A_687 : f32 to vector<16xf32>
        %gt3A_689 = arith.cmpf ogt, %div3A_664, %gt3A_688 : vector<16xf32>
        %gt3A_690 = arith.constant 5.000000e-01 : f32
        %gt3A_691 = vector.broadcast %gt3A_690 : f32 to vector<16xf32>
        %gt3A_692 = arith.cmpf ogt, %div3A_686, %gt3A_691 : vector<16xf32>
        %or3A_693 = arith.ori %gt3A_689, %gt3A_692 : vector<16xi1>
        %jit3A_694 = arith.constant 0xFF800000 : f32
        %broadcast_in_dim3A_695 = vector.broadcast %jit3A_694 : f32 to vector<16xf32>
        %select_n3A_696 = arith.select %or3A_693, %broadcast_in_dim3A_695, %get3A_632 : vector<16xi1>, vector<16xf32>
        %swap3A_697 = arith.index_cast %add3A_631 : i32 to index
        %swap3A_698 = tpu.vector_load %arg14[%swap3A_697] {strides = array<i32>} : memref<1280xf32, #tpu.memory_space<vmem>>, vector<16xf32>,
        tpu.vector_store %arg14[%swap3A_697], %select_n3A_696 {strides = array<i32>} : memref<1280xf32, #tpu.memory_space<vmem>>, vector<16xf32>,
        %convert_element_type3A_699 = arith.sitofp %add3A_631 : i32 to f32
        %add3A_700 = vector.broadcast %convert_element_type3A_699 : f32 to vector<16xf32>
        %add3A_701 = arith.addf %add3A_2, %add3A_700 : vector<16xf32>
        %gt3A_702 = arith.cmpf ogt, %select_n3A_696, %scan3A_624 : vector<16xf32>
        %gt3A_703 = arith.cmpf ogt, %select_n3A_696, %scan3A_626 : vector<16xf32>
        %select_n3A_704 = arith.select %gt3A_703, %select_n3A_696, %scan3A_626 : vector<16xi1>, vector<16xf32>
        %select_n3A_705 = arith.select %gt3A_702, %scan3A_624, %select_n3A_704 : vector<16xi1>, vector<16xf32>
        %select_n3A_706 = arith.select %gt3A_703, %add3A_701, %scan3A_627 : vector<16xi1>, vector<16xf32>
        %select_n3A_707 = arith.select %gt3A_702, %scan3A_625, %select_n3A_706 : vector<16xi1>, vector<16xf32>
        %select_n3A_708 = arith.select %gt3A_702, %select_n3A_696, %scan3A_624 : vector<16xi1>, vector<16xf32>
        %select_n3A_709 = arith.select %gt3A_702, %add3A_701, %scan3A_625 : vector<16xi1>, vector<16xf32>
        %mul3A_710 = arith.constant 64 : i32
        %mul3A_711 = arith.muli %scan3A_623, %mul3A_710 : i32
        %add3A_712 = arith.constant 16 : i32
        %add3A_713 = arith.addi %mul3A_711, %add3A_712 : i32
        %get3A_714 = arith.index_cast %add3A_713 : i32 to index
        %get3A_715 = tpu.vector_load %arg14[%get3A_714] {strides = array<i32>} : memref<1280xf32, #tpu.memory_space<vmem>>, vector<16xf32>,
        %get3A_716 = arith.index_cast %add3A_713 : i32 to index
        %get3A_717 = tpu.vector_load %arg9[%get3A_716] {strides = array<i32>} : memref<1280xf32, #tpu.memory_space<vmem>>, vector<16xf32>,
        %get3A_718 = arith.index_cast %add3A_713 : i32 to index
        %get3A_719 = tpu.vector_load %arg10[%get3A_718] {strides = array<i32>} : memref<1280xf32, #tpu.memory_space<vmem>>, vector<16xf32>,
        %get3A_720 = arith.index_cast %add3A_713 : i32 to index
        %get3A_721 = tpu.vector_load %arg11[%get3A_720] {strides = array<i32>} : memref<1280xf32, #tpu.memory_space<vmem>>, vector<16xf32>,
        %get3A_722 = arith.index_cast %add3A_713 : i32 to index
        %get3A_723 = tpu.vector_load %arg12[%get3A_722] {strides = array<i32>} : memref<1280xf32, #tpu.memory_space<vmem>>, vector<16xf32>,
        %get3A_724 = arith.index_cast %add3A_713 : i32 to index
        %get3A_725 = tpu.vector_load %arg13[%get3A_724] {strides = array<i32>} : memref<1280xf32, #tpu.memory_space<vmem>>, vector<16xf32>,
        %max3A_726 = arith.maximumf %gather3A_470, %get3A_717 : vector<16xf32>
        %max3A_727 = arith.maximumf %gather3A_474, %get3A_719 : vector<16xf32>
        %min3A_728 = arith.minimumf %gather3A_478, %get3A_721 : vector<16xf32>
        %min3A_729 = arith.minimumf %gather3A_482, %get3A_723 : vector<16xf32>
        %sub3A_730 = arith.subf %min3A_728, %max3A_726 : vector<16xf32>
        %add3A_731 = arith.constant 1.000000e+00 : f32
        %add3A_732 = vector.broadcast %add3A_731 : f32 to vector<16xf32>
        %add3A_733 = arith.addf %sub3A_730, %add3A_732 : vector<16xf32>
        %max3A_734 = arith.constant 0.000000e+00 : f32
        %max3A_735 = vector.broadcast %max3A_734 : f32 to vector<16xf32>
        %max3A_736 = arith.maximumf %add3A_733, %max3A_735 : vector<16xf32>
        %sub3A_737 = arith.subf %min3A_729, %max3A_727 : vector<16xf32>
        %add3A_738 = arith.constant 1.000000e+00 : f32
        %add3A_739 = vector.broadcast %add3A_738 : f32 to vector<16xf32>
        %add3A_740 = arith.addf %sub3A_737, %add3A_739 : vector<16xf32>
        %max3A_741 = arith.constant 0.000000e+00 : f32
        %max3A_742 = vector.broadcast %max3A_741 : f32 to vector<16xf32>
        %max3A_743 = arith.maximumf %add3A_740, %max3A_742 : vector<16xf32>
        %mul3A_744 = arith.mulf %max3A_736, %max3A_743 : vector<16xf32>
        %add3A_745 = arith.addf %gather3A_490, %get3A_725 : vector<16xf32>
        %sub3A_746 = arith.subf %add3A_745, %mul3A_744 : vector<16xf32>
        %div3A_747 = arith.divf %mul3A_744, %sub3A_746 : vector<16xf32>
        %max3A_748 = arith.maximumf %select_n3A_603, %get3A_717 : vector<16xf32>
        %max3A_749 = arith.maximumf %select_n3A_604, %get3A_719 : vector<16xf32>
        %min3A_750 = arith.minimumf %select_n3A_607, %get3A_721 : vector<16xf32>
        %min3A_751 = arith.minimumf %select_n3A_611, %get3A_723 : vector<16xf32>
        %sub3A_752 = arith.subf %min3A_750, %max3A_748 : vector<16xf32>
        %add3A_753 = arith.constant 1.000000e+00 : f32
        %add3A_754 = vector.broadcast %add3A_753 : f32 to vector<16xf32>
        %add3A_755 = arith.addf %sub3A_752, %add3A_754 : vector<16xf32>
        %max3A_756 = arith.constant 0.000000e+00 : f32
        %max3A_757 = vector.broadcast %max3A_756 : f32 to vector<16xf32>
        %max3A_758 = arith.maximumf %add3A_755, %max3A_757 : vector<16xf32>
        %sub3A_759 = arith.subf %min3A_751, %max3A_749 : vector<16xf32>
        %add3A_760 = arith.constant 1.000000e+00 : f32
        %add3A_761 = vector.broadcast %add3A_760 : f32 to vector<16xf32>
        %add3A_762 = arith.addf %sub3A_759, %add3A_761 : vector<16xf32>
        %max3A_763 = arith.constant 0.000000e+00 : f32
        %max3A_764 = vector.broadcast %max3A_763 : f32 to vector<16xf32>
        %max3A_765 = arith.maximumf %add3A_762, %max3A_764 : vector<16xf32>
        %mul3A_766 = arith.mulf %max3A_758, %max3A_765 : vector<16xf32>
        %add3A_767 = arith.addf %select_n3A_612, %get3A_725 : vector<16xf32>
        %sub3A_768 = arith.subf %add3A_767, %mul3A_766 : vector<16xf32>
        %div3A_769 = arith.divf %mul3A_766, %sub3A_768 : vector<16xf32>
        %gt3A_770 = arith.constant 5.000000e-01 : f32
        %gt3A_771 = vector.broadcast %gt3A_770 : f32 to vector<16xf32>
        %gt3A_772 = arith.cmpf ogt, %div3A_747, %gt3A_771 : vector<16xf32>
        %gt3A_773 = arith.constant 5.000000e-01 : f32
        %gt3A_774 = vector.broadcast %gt3A_773 : f32 to vector<16xf32>
        %gt3A_775 = arith.cmpf ogt, %div3A_769, %gt3A_774 : vector<16xf32>
        %or3A_776 = arith.ori %gt3A_772, %gt3A_775 : vector<16xi1>
        %jit3A_777 = arith.constant 0xFF800000 : f32
        %broadcast_in_dim3A_778 = vector.broadcast %jit3A_777 : f32 to vector<16xf32>
        %select_n3A_779 = arith.select %or3A_776, %broadcast_in_dim3A_778, %get3A_715 : vector<16xi1>, vector<16xf32>
        %swap3A_780 = arith.index_cast %add3A_713 : i32 to index
        %swap3A_781 = tpu.vector_load %arg14[%swap3A_780] {strides = array<i32>} : memref<1280xf32, #tpu.memory_space<vmem>>, vector<16xf32>,
        tpu.vector_store %arg14[%swap3A_780], %select_n3A_779 {strides = array<i32>} : memref<1280xf32, #tpu.memory_space<vmem>>, vector<16xf32>,
        %convert_element_type3A_782 = arith.sitofp %add3A_713 : i32 to f32
        %add3A_783 = vector.broadcast %convert_element_type3A_782 : f32 to vector<16xf32>
        %add3A_784 = arith.addf %add3A_2, %add3A_783 : vector<16xf32>
        %gt3A_785 = arith.cmpf ogt, %select_n3A_779, %select_n3A_708 : vector<16xf32>
        %gt3A_786 = arith.cmpf ogt, %select_n3A_779, %select_n3A_705 : vector<16xf32>
        %select_n3A_787 = arith.select %gt3A_786, %select_n3A_779, %select_n3A_705 : vector<16xi1>, vector<16xf32>
        %select_n3A_788 = arith.select %gt3A_785, %select_n3A_708, %select_n3A_787 : vector<16xi1>, vector<16xf32>
        %select_n3A_789 = arith.select %gt3A_786, %add3A_784, %select_n3A_707 : vector<16xi1>, vector<16xf32>
        %select_n3A_790 = arith.select %gt3A_785, %select_n3A_709, %select_n3A_789 : vector<16xi1>, vector<16xf32>
        %select_n3A_791 = arith.select %gt3A_785, %select_n3A_779, %select_n3A_708 : vector<16xi1>, vector<16xf32>
        %select_n3A_792 = arith.select %gt3A_785, %add3A_784, %select_n3A_709 : vector<16xi1>, vector<16xf32>
        %mul3A_793 = arith.constant 64 : i32
        %mul3A_794 = arith.muli %scan3A_623, %mul3A_793 : i32
        %add3A_795 = arith.constant 32 : i32
        %add3A_796 = arith.addi %mul3A_794, %add3A_795 : i32
        %get3A_797 = arith.index_cast %add3A_796 : i32 to index
        %get3A_798 = tpu.vector_load %arg14[%get3A_797] {strides = array<i32>} : memref<1280xf32, #tpu.memory_space<vmem>>, vector<16xf32>,
        %get3A_799 = arith.index_cast %add3A_796 : i32 to index
        %get3A_800 = tpu.vector_load %arg9[%get3A_799] {strides = array<i32>} : memref<1280xf32, #tpu.memory_space<vmem>>, vector<16xf32>,
        %get3A_801 = arith.index_cast %add3A_796 : i32 to index
        %get3A_802 = tpu.vector_load %arg10[%get3A_801] {strides = array<i32>} : memref<1280xf32, #tpu.memory_space<vmem>>, vector<16xf32>,
        %get3A_803 = arith.index_cast %add3A_796 : i32 to index
        %get3A_804 = tpu.vector_load %arg11[%get3A_803] {strides = array<i32>} : memref<1280xf32, #tpu.memory_space<vmem>>, vector<16xf32>,
        %get3A_805 = arith.index_cast %add3A_796 : i32 to index
        %get3A_806 = tpu.vector_load %arg12[%get3A_805] {strides = array<i32>} : memref<1280xf32, #tpu.memory_space<vmem>>, vector<16xf32>,
        %get3A_807 = arith.index_cast %add3A_796 : i32 to index
        %get3A_808 = tpu.vector_load %arg13[%get3A_807] {strides = array<i32>} : memref<1280xf32, #tpu.memory_space<vmem>>, vector<16xf32>,
        %max3A_809 = arith.maximumf %gather3A_470, %get3A_800 : vector<16xf32>
        %max3A_810 = arith.maximumf %gather3A_474, %get3A_802 : vector<16xf32>
        %min3A_811 = arith.minimumf %gather3A_478, %get3A_804 : vector<16xf32>
        %min3A_812 = arith.minimumf %gather3A_482, %get3A_806 : vector<16xf32>
        %sub3A_813 = arith.subf %min3A_811, %max3A_809 : vector<16xf32>
        %add3A_814 = arith.constant 1.000000e+00 : f32
        %add3A_815 = vector.broadcast %add3A_814 : f32 to vector<16xf32>
        %add3A_816 = arith.addf %sub3A_813, %add3A_815 : vector<16xf32>
        %max3A_817 = arith.constant 0.000000e+00 : f32
        %max3A_818 = vector.broadcast %max3A_817 : f32 to vector<16xf32>
        %max3A_819 = arith.maximumf %add3A_816, %max3A_818 : vector<16xf32>
        %sub3A_820 = arith.subf %min3A_812, %max3A_810 : vector<16xf32>
        %add3A_821 = arith.constant 1.000000e+00 : f32
        %add3A_822 = vector.broadcast %add3A_821 : f32 to vector<16xf32>
        %add3A_823 = arith.addf %sub3A_820, %add3A_822 : vector<16xf32>
        %max3A_824 = arith.constant 0.000000e+00 : f32
        %max3A_825 = vector.broadcast %max3A_824 : f32 to vector<16xf32>
        %max3A_826 = arith.maximumf %add3A_823, %max3A_825 : vector<16xf32>
        %mul3A_827 = arith.mulf %max3A_819, %max3A_826 : vector<16xf32>
        %add3A_828 = arith.addf %gather3A_490, %get3A_808 : vector<16xf32>
        %sub3A_829 = arith.subf %add3A_828, %mul3A_827 : vector<16xf32>
        %div3A_830 = arith.divf %mul3A_827, %sub3A_829 : vector<16xf32>
        %max3A_831 = arith.maximumf %select_n3A_603, %get3A_800 : vector<16xf32>
        %max3A_832 = arith.maximumf %select_n3A_604, %get3A_802 : vector<16xf32>
        %min3A_833 = arith.minimumf %select_n3A_607, %get3A_804 : vector<16xf32>
        %min3A_834 = arith.minimumf %select_n3A_611, %get3A_806 : vector<16xf32>
        %sub3A_835 = arith.subf %min3A_833, %max3A_831 : vector<16xf32>
        %add3A_836 = arith.constant 1.000000e+00 : f32
        %add3A_837 = vector.broadcast %add3A_836 : f32 to vector<16xf32>
        %add3A_838 = arith.addf %sub3A_835, %add3A_837 : vector<16xf32>
        %max3A_839 = arith.constant 0.000000e+00 : f32
        %max3A_840 = vector.broadcast %max3A_839 : f32 to vector<16xf32>
        %max3A_841 = arith.maximumf %add3A_838, %max3A_840 : vector<16xf32>
        %sub3A_842 = arith.subf %min3A_834, %max3A_832 : vector<16xf32>
        %add3A_843 = arith.constant 1.000000e+00 : f32
        %add3A_844 = vector.broadcast %add3A_843 : f32 to vector<16xf32>
        %add3A_845 = arith.addf %sub3A_842, %add3A_844 : vector<16xf32>
        %max3A_846 = arith.constant 0.000000e+00 : f32
        %max3A_847 = vector.broadcast %max3A_846 : f32 to vector<16xf32>
        %max3A_848 = arith.maximumf %add3A_845, %max3A_847 : vector<16xf32>
        %mul3A_849 = arith.mulf %max3A_841, %max3A_848 : vector<16xf32>
        %add3A_850 = arith.addf %select_n3A_612, %get3A_808 : vector<16xf32>
        %sub3A_851 = arith.subf %add3A_850, %mul3A_849 : vector<16xf32>
        %div3A_852 = arith.divf %mul3A_849, %sub3A_851 : vector<16xf32>
        %gt3A_853 = arith.constant 5.000000e-01 : f32
        %gt3A_854 = vector.broadcast %gt3A_853 : f32 to vector<16xf32>
        %gt3A_855 = arith.cmpf ogt, %div3A_830, %gt3A_854 : vector<16xf32>
        %gt3A_856 = arith.constant 5.000000e-01 : f32
        %gt3A_857 = vector.broadcast %gt3A_856 : f32 to vector<16xf32>
        %gt3A_858 = arith.cmpf ogt, %div3A_852, %gt3A_857 : vector<16xf32>
        %or3A_859 = arith.ori %gt3A_855, %gt3A_858 : vector<16xi1>
        %jit3A_860 = arith.constant 0xFF800000 : f32
        %broadcast_in_dim3A_861 = vector.broadcast %jit3A_860 : f32 to vector<16xf32>
        %select_n3A_862 = arith.select %or3A_859, %broadcast_in_dim3A_861, %get3A_798 : vector<16xi1>, vector<16xf32>
        %swap3A_863 = arith.index_cast %add3A_796 : i32 to index
        %swap3A_864 = tpu.vector_load %arg14[%swap3A_863] {strides = array<i32>} : memref<1280xf32, #tpu.memory_space<vmem>>, vector<16xf32>,
        tpu.vector_store %arg14[%swap3A_863], %select_n3A_862 {strides = array<i32>} : memref<1280xf32, #tpu.memory_space<vmem>>, vector<16xf32>,
        %convert_element_type3A_865 = arith.sitofp %add3A_796 : i32 to f32
        %add3A_866 = vector.broadcast %convert_element_type3A_865 : f32 to vector<16xf32>
        %add3A_867 = arith.addf %add3A_2, %add3A_866 : vector<16xf32>
        %gt3A_868 = arith.cmpf ogt, %select_n3A_862, %select_n3A_791 : vector<16xf32>
        %gt3A_869 = arith.cmpf ogt, %select_n3A_862, %select_n3A_788 : vector<16xf32>
        %select_n3A_870 = arith.select %gt3A_869, %select_n3A_862, %select_n3A_788 : vector<16xi1>, vector<16xf32>
        %select_n3A_871 = arith.select %gt3A_868, %select_n3A_791, %select_n3A_870 : vector<16xi1>, vector<16xf32>
        %select_n3A_872 = arith.select %gt3A_869, %add3A_867, %select_n3A_790 : vector<16xi1>, vector<16xf32>
        %select_n3A_873 = arith.select %gt3A_868, %select_n3A_792, %select_n3A_872 : vector<16xi1>, vector<16xf32>
        %select_n3A_874 = arith.select %gt3A_868, %select_n3A_862, %select_n3A_791 : vector<16xi1>, vector<16xf32>
        %select_n3A_875 = arith.select %gt3A_868, %add3A_867, %select_n3A_792 : vector<16xi1>, vector<16xf32>
        %mul3A_876 = arith.constant 64 : i32
        %mul3A_877 = arith.muli %scan3A_623, %mul3A_876 : i32
        %add3A_878 = arith.constant 48 : i32
        %add3A_879 = arith.addi %mul3A_877, %add3A_878 : i32
        %get3A_880 = arith.index_cast %add3A_879 : i32 to index
        %get3A_881 = tpu.vector_load %arg14[%get3A_880] {strides = array<i32>} : memref<1280xf32, #tpu.memory_space<vmem>>, vector<16xf32>,
        %get3A_882 = arith.index_cast %add3A_879 : i32 to index
        %get3A_883 = tpu.vector_load %arg9[%get3A_882] {strides = array<i32>} : memref<1280xf32, #tpu.memory_space<vmem>>, vector<16xf32>,
        %get3A_884 = arith.index_cast %add3A_879 : i32 to index
        %get3A_885 = tpu.vector_load %arg10[%get3A_884] {strides = array<i32>} : memref<1280xf32, #tpu.memory_space<vmem>>, vector<16xf32>,
        %get3A_886 = arith.index_cast %add3A_879 : i32 to index
        %get3A_887 = tpu.vector_load %arg11[%get3A_886] {strides = array<i32>} : memref<1280xf32, #tpu.memory_space<vmem>>, vector<16xf32>,
        %get3A_888 = arith.index_cast %add3A_879 : i32 to index
        %get3A_889 = tpu.vector_load %arg12[%get3A_888] {strides = array<i32>} : memref<1280xf32, #tpu.memory_space<vmem>>, vector<16xf32>,
        %get3A_890 = arith.index_cast %add3A_879 : i32 to index
        %get3A_891 = tpu.vector_load %arg13[%get3A_890] {strides = array<i32>} : memref<1280xf32, #tpu.memory_space<vmem>>, vector<16xf32>,
        %max3A_892 = arith.maximumf %gather3A_470, %get3A_883 : vector<16xf32>
        %max3A_893 = arith.maximumf %gather3A_474, %get3A_885 : vector<16xf32>
        %min3A_894 = arith.minimumf %gather3A_478, %get3A_887 : vector<16xf32>
        %min3A_895 = arith.minimumf %gather3A_482, %get3A_889 : vector<16xf32>
        %sub3A_896 = arith.subf %min3A_894, %max3A_892 : vector<16xf32>
        %add3A_897 = arith.constant 1.000000e+00 : f32
        %add3A_898 = vector.broadcast %add3A_897 : f32 to vector<16xf32>
        %add3A_899 = arith.addf %sub3A_896, %add3A_898 : vector<16xf32>
        %max3A_900 = arith.constant 0.000000e+00 : f32
        %max3A_901 = vector.broadcast %max3A_900 : f32 to vector<16xf32>
        %max3A_902 = arith.maximumf %add3A_899, %max3A_901 : vector<16xf32>
        %sub3A_903 = arith.subf %min3A_895, %max3A_893 : vector<16xf32>
        %add3A_904 = arith.constant 1.000000e+00 : f32
        %add3A_905 = vector.broadcast %add3A_904 : f32 to vector<16xf32>
        %add3A_906 = arith.addf %sub3A_903, %add3A_905 : vector<16xf32>
        %max3A_907 = arith.constant 0.000000e+00 : f32
        %max3A_908 = vector.broadcast %max3A_907 : f32 to vector<16xf32>
        %max3A_909 = arith.maximumf %add3A_906, %max3A_908 : vector<16xf32>
        %mul3A_910 = arith.mulf %max3A_902, %max3A_909 : vector<16xf32>
        %add3A_911 = arith.addf %gather3A_490, %get3A_891 : vector<16xf32>
        %sub3A_912 = arith.subf %add3A_911, %mul3A_910 : vector<16xf32>
        %div3A_913 = arith.divf %mul3A_910, %sub3A_912 : vector<16xf32>
        %max3A_914 = arith.maximumf %select_n3A_603, %get3A_883 : vector<16xf32>
        %max3A_915 = arith.maximumf %select_n3A_604, %get3A_885 : vector<16xf32>
        %min3A_916 = arith.minimumf %select_n3A_607, %get3A_887 : vector<16xf32>
        %min3A_917 = arith.minimumf %select_n3A_611, %get3A_889 : vector<16xf32>
        %sub3A_918 = arith.subf %min3A_916, %max3A_914 : vector<16xf32>
        %add3A_919 = arith.constant 1.000000e+00 : f32
        %add3A_920 = vector.broadcast %add3A_919 : f32 to vector<16xf32>
        %add3A_921 = arith.addf %sub3A_918, %add3A_920 : vector<16xf32>
        %max3A_922 = arith.constant 0.000000e+00 : f32
        %max3A_923 = vector.broadcast %max3A_922 : f32 to vector<16xf32>
        %max3A_924 = arith.maximumf %add3A_921, %max3A_923 : vector<16xf32>
        %sub3A_925 = arith.subf %min3A_917, %max3A_915 : vector<16xf32>
        %add3A_926 = arith.constant 1.000000e+00 : f32
        %add3A_927 = vector.broadcast %add3A_926 : f32 to vector<16xf32>
        %add3A_928 = arith.addf %sub3A_925, %add3A_927 : vector<16xf32>
        %max3A_929 = arith.constant 0.000000e+00 : f32
        %max3A_930 = vector.broadcast %max3A_929 : f32 to vector<16xf32>
        %max3A_931 = arith.maximumf %add3A_928, %max3A_930 : vector<16xf32>
        %mul3A_932 = arith.mulf %max3A_924, %max3A_931 : vector<16xf32>
        %add3A_933 = arith.addf %select_n3A_612, %get3A_891 : vector<16xf32>
        %sub3A_934 = arith.subf %add3A_933, %mul3A_932 : vector<16xf32>
        %div3A_935 = arith.divf %mul3A_932, %sub3A_934 : vector<16xf32>
        %gt3A_936 = arith.constant 5.000000e-01 : f32
        %gt3A_937 = vector.broadcast %gt3A_936 : f32 to vector<16xf32>
        %gt3A_938 = arith.cmpf ogt, %div3A_913, %gt3A_937 : vector<16xf32>
        %gt3A_939 = arith.constant 5.000000e-01 : f32
        %gt3A_940 = vector.broadcast %gt3A_939 : f32 to vector<16xf32>
        %gt3A_941 = arith.cmpf ogt, %div3A_935, %gt3A_940 : vector<16xf32>
        %or3A_942 = arith.ori %gt3A_938, %gt3A_941 : vector<16xi1>
        %jit3A_943 = arith.constant 0xFF800000 : f32
        %broadcast_in_dim3A_944 = vector.broadcast %jit3A_943 : f32 to vector<16xf32>
        %select_n3A_945 = arith.select %or3A_942, %broadcast_in_dim3A_944, %get3A_881 : vector<16xi1>, vector<16xf32>
        %swap3A_946 = arith.index_cast %add3A_879 : i32 to index
        %swap3A_947 = tpu.vector_load %arg14[%swap3A_946] {strides = array<i32>} : memref<1280xf32, #tpu.memory_space<vmem>>, vector<16xf32>,
        tpu.vector_store %arg14[%swap3A_946], %select_n3A_945 {strides = array<i32>} : memref<1280xf32, #tpu.memory_space<vmem>>, vector<16xf32>,
        %convert_element_type3A_948 = arith.sitofp %add3A_879 : i32 to f32
        %add3A_949 = vector.broadcast %convert_element_type3A_948 : f32 to vector<16xf32>
        %add3A_950 = arith.addf %add3A_2, %add3A_949 : vector<16xf32>
        %gt3A_951 = arith.cmpf ogt, %select_n3A_945, %select_n3A_874 : vector<16xf32>
        %gt3A_952 = arith.cmpf ogt, %select_n3A_945, %select_n3A_871 : vector<16xf32>
        %select_n3A_953 = arith.select %gt3A_952, %select_n3A_945, %select_n3A_871 : vector<16xi1>, vector<16xf32>
        %select_n3A_954 = arith.select %gt3A_951, %select_n3A_874, %select_n3A_953 : vector<16xi1>, vector<16xf32>
        %select_n3A_955 = arith.select %gt3A_952, %add3A_950, %select_n3A_873 : vector<16xi1>, vector<16xf32>
        %select_n3A_956 = arith.select %gt3A_951, %select_n3A_875, %select_n3A_955 : vector<16xi1>, vector<16xf32>
        %select_n3A_957 = arith.select %gt3A_951, %select_n3A_945, %select_n3A_874 : vector<16xi1>, vector<16xf32>
        %select_n3A_958 = arith.select %gt3A_951, %add3A_950, %select_n3A_875 : vector<16xi1>, vector<16xf32>
        scf.yield %select_n3A_957, %select_n3A_958, %select_n3A_954, %select_n3A_956 : vector<16xf32>, vector<16xf32>, vector<16xf32>, vector<16xf32>
      }
      %scan3A_620 = arith.constant 20 : i32
      %add3A_621 = arith.constant 1 : i32
      %add3A_622 = arith.addi %while3A_33, %add3A_621 : i32
      scf.yield %add3A_602, %add3A_622, %scan3A_619#0, %scan3A_619#1, %scan3A_619#2, %scan3A_619#3 : i32, i32, vector<16xf32>, vector<16xf32>, vector<16xf32>, vector<16xf32>
    }
    %eq3A_25 = arith.constant 0 : i32
    %eq3A_26 = arith.cmpi eq, %arg1, %eq3A_25 : i32
    %eq3A_27 = arith.constant 0 : i32
    %eq3A_28 = arith.cmpi eq, %arg0, %eq3A_27 : i32
    %and3A = arith.andi %eq3A_26, %eq3A_28 : i1
    %convert_element_type3A_29 = arith.extui %and3A : i1 to i32
    %cond3A_30 = arith.constant 0 : i32
    %cond3A_31 = arith.cmpi ne, %convert_element_type3A_29, %cond3A_30 : i32
    scf.if %cond3A_31 {
      "tpu.region"() ({
        %run_scoped3A = tpu.sem_alloc : memref<!tpu.dma_semaphore, #tpu.memory_space<semaphore_mem>>
        tpu.enqueue_dma source(%arg17 : memref<500xf32, #tpu.memory_space<vmem>>) target(%arg5 : memref<500xf32, #tpu.memory_space<hbm>>) target_semaphore(%run_scoped3A : memref<!tpu.dma_semaphore, #tpu.memory_space<semaphore_mem>>)
        tpu.wait_dma2 semaphore(%run_scoped3A : memref<!tpu.dma_semaphore, #tpu.memory_space<semaphore_mem>>) src(%arg17 : memref<500xf32, #tpu.memory_space<vmem>>) dst(%arg5 : memref<500xf32, #tpu.memory_space<hbm>>)
        tpu.yield
      }) : () -> ()
    } else {
    }
    return
  }
}

</mosaic_0001>

<sc_bundles>
// kernel: kernel.3.cloned.1.call-start
scs
__scs_entry_jumppad:
0x0: {  	(pc) =	sbr.rel $0x88, $3  }
0x1: {  	(tag) =	ssettag $0x0;
	lr =	simm.s32 $0x1  }
0x2: {  	[smem:$0x3F9E] =	sst lr;
	_ =	strace $0xD0000000  }
0x3: {  	_ = 	snop  }
0x4: {  	_ = 	snop  }
0x5: {  	_ = 	snop  }
0x6: {  	_ = 	snop  }
0x7: {  	_ = 	snop  }
__scs_overlays_trampoline_lowered:
0x8: {  	[smem:$0x3FAD] =	sst s0  }
0x9: {  	[smem:$0x3FAE] =	sst s1  }
0xa: {  	[smem:$0x3FAF] =	sst s2  }
0xb: {  	[smem:$0x3FB0] =	sst s3  }
0xc: {  	[smem:$0x3FB1] =	sst s4  }
0xd: {  	[smem:$0x3FB2] =	sst s5  }
0xe: {  	[smem:$0x3FB3] =	sst s6  }
0xf: {  	[smem:$0x3FB4] =	sst s7  }
0x10: {  	[smem:$0x3FB5] =	sst s8  }
0x11: {  	[smem:$0x3FB6] =	sst s9;
	s0 =	simm.s32 @!p0 $0x0  }
0x12: {  	s1 =	sld [smem:$0x3F9C];
	s0 =	simm.s32 @p0 $0x1  }
0x13: {  	[smem:$0x3FB7] =	sst s0;
	s0 =	simm.s32 @!p1 $0x0  }
0x14: {  	s2 =	sld [smem:$0x3F9B];
	s0 =	simm.s32 @p1 $0x1  }
0x15: {  	[smem:$0x3FB8] =	sst s0;
	s0 =	simm.s32 @!p2 $0x0  }
0x16: {  	s3 =	sld [smem:$0x3FDB];
	s0 =	simm.s32 @p2 $0x1  }
0x17: {  	s4 =	simm.s32 $0x1BF5;
	[smem:$0x3FBA] =	sst s0  }
0x18: {  	s0 =	sld [smem:$0x3F9D];
	_ =	swait.ge [sflag:s4], $0x0  }
0x19: {  	s7 =	sld [smem:$0x3F9E]  }
0x1a: {  	s8 =	sadd.s32 $0xFFFFE003, lr  }
0x1b: {  	s9 =	sadd.s32 $0xFFFFFEF7, lr;
	s5 =	simm.s32 $0xFFFFFFFF;
	p2 =	slt.u32 s8, $0xFFFFF086  }
0x1c: {  	p1 =	slt.u32 s9, $0xF7A;
	s5 =	simm.s32 @!p2 $0x0  }
0x1d: {  	s5 =	simm.s32 @p1 $0x1;
	p0 =	seq.s32 s7, s2  }
0x1e: {  	s7 =	smul.u32 @!p0 $0xF7A, s2;
	p2 =	seq.s32 @!p0 s5, $0x0  }
0x1f: {  	s9 =	smul.u32 $0xF7A, s1;
	s8 =	simm.s32 @!p0 $0x1BF5;
	p2 =	por !p2, p0  }
0x20: {  	[sflag:s8] =	ssyncset.s32 @!p0 $0xFFFFF086;
	s6 =	sadd.s32 @!p0 s3, s7;
	s7 =	simm.s32 @!p0 $0x108  }
0x21: {  	s3 =	sadd.s32 s3, s9;
	s6 =	sadd.s32 @!p0 $0x88, s6;
	s7 =	simm.s32 @p2 $0x1082  }
0x22: {  	[simem:s7], [sflag:s8] =	dma.local @!p0 [hbm:s6], $0xF7A  }
0x23: {  	s9 =	sor.u32 $0xD0000000, s2;
	s6 =	simm.s32 $0x108;
	_ =	swait.ge @!p0 [sflag:s8], $0x0  }
0x24: {  	s3 =	sadd.s32 $0x88, s3;
	s6 =	simm.s32 @!p1 $0x1082;
	[sflag:s4] =	ssyncset.s32 $0xFFFFF086  }
0x25: {  	[simem:s6], [sflag:s4] =	dma.local [hbm:s3], $0xF7A  }
0x26: {  	[smem:$0x3F9E] =	sst s1;
	(tag) =	ssettag s2;
	_ =	strace s9  }
0x27: {  	s1 =	sld [smem:$0x3FAE]  }
0x28: {  	s2 =	sld [smem:$0x3FAF]  }
0x29: {  	s4 =	sld [smem:$0x3FB1]  }
0x2a: {  	p0 =	seq.s32 s5, $0x0;
	s5 =	sld [smem:$0x3FB2]  }
0x2b: {  	s6 =	sld [smem:$0x3FB3]  }
0x2c: {  	s7 =	sld [smem:$0x3FB4]  }
0x2d: {  	s3 =	simm.s32 $0x108;
	s8 =	sld [smem:$0x3FB5]  }
0x2e: {  	s3 =	simm.s32 @!p0 $0x1082;
	s9 =	sld [smem:$0x3FB6]  }
0x2f: {  	lr =	sadd.s32 s0, s3;
	s0 =	sld [smem:$0x3FAD]  }
0x30: {  	s3 =	sld [smem:$0x3FB0]  }
0x31: {  	[smem:$0x3FB9] =	sst s10  }
0x32: {  	s10 =	sld [smem:$0x3FB7];
	_ =	sdelay $0x3  }
0x33: {  	p0 =	seq.s32 s10, $0x1;
	s10 =	sld [smem:$0x3FB9];
	_ =	sdelay $0x3  }
0x34: {  	[smem:$0x3FB9] =	sst s10  }
0x35: {  	s10 =	sld [smem:$0x3FB8];
	_ =	sdelay $0x3  }
0x36: {  	p1 =	seq.s32 s10, $0x1;
	s10 =	sld [smem:$0x3FB9];
	_ =	sdelay $0x3  }
0x37: {  	[smem:$0x3FB9] =	sst s10  }
0x38: {  	s10 =	sld [smem:$0x3FBA]  }
0x39: {  	_ = 	snop;
	(pc) =	sbr.ind lr, $3  }
0x3a: {  	_ = 	snop  }
0x3b: {  	_ = 	snop  }
0x3c: {  	p2 =	seq.s32 s10, $0x1;
	s10 =	sld [smem:$0x3FB9]  }
0x3d: {  	_ =	shalt  }
0x3e: {  	_ =	shalt  }
0x3f: {  	_ =	shalt  }
0x40: {  	_ =	shalt  }
0x41: {  	_ =	shalt  }
0x42: {  	_ =	shalt  }
0x43: {  	_ =	shalt  }
0x44: {  	_ =	shalt  }
0x45: {  	_ =	shalt  }
0x46: {  	_ =	shalt  }
0x47: {  	_ =	shalt  }
0x48: {  	_ =	shalt  }
0x49: {  	_ =	shalt  }
0x4a: {  	_ =	shalt  }
0x4b: {  	_ =	shalt  }
0x4c: {  	_ =	shalt  }
0x4d: {  	_ =	shalt  }
0x4e: {  	_ =	shalt  }
0x4f: {  	_ =	shalt  }
0x50: {  	_ =	shalt  }
0x51: {  	_ =	shalt  }
0x52: {  	_ =	shalt  }
0x53: {  	_ =	shalt  }
0x54: {  	_ =	shalt  }
0x55: {  	_ =	shalt  }
0x56: {  	_ =	shalt  }
0x57: {  	_ =	shalt  }
0x58: {  	_ =	shalt  }
0x59: {  	_ =	shalt  }
0x5a: {  	_ =	shalt  }
0x5b: {  	_ =	shalt  }
0x5c: {  	_ =	shalt  }
0x5d: {  	_ =	shalt  }
0x5e: {  	_ =	shalt  }
0x5f: {  	_ =	shalt  }
0x60: {  	_ =	shalt  }
0x61: {  	_ =	shalt  }
0x62: {  	_ =	shalt  }
0x63: {  	_ =	shalt  }
0x64: {  	_ =	shalt  }
0x65: {  	_ =	shalt  }
0x66: {  	_ =	shalt  }
0x67: {  	_ =	shalt  }
0x68: {  	_ =	shalt  }
0x69: {  	_ =	shalt  }
0x6a: {  	_ =	shalt  }
0x6b: {  	_ =	shalt  }
0x6c: {  	_ =	shalt  }
0x6d: {  	_ =	shalt  }
0x6e: {  	_ =	shalt  }
0x6f: {  	_ =	shalt  }
0x70: {  	_ =	shalt  }
0x71: {  	_ =	shalt  }
0x72: {  	_ =	shalt  }
0x73: {  	_ =	shalt  }
0x74: {  	_ =	shalt  }
0x75: {  	_ =	shalt  }
0x76: {  	_ =	shalt  }
0x77: {  	_ =	shalt  }
0x78: {  	_ =	shalt  }
0x79: {  	_ =	shalt  }
0x7a: {  	_ =	shalt  }
0x7b: {  	_ =	shalt  }
0x7c: {  	_ =	shalt  }
0x7d: {  	_ =	shalt  }
0x7e: {  	_ =	shalt  }
0x7f: {  	_ =	shalt  }
0x80: {  	_ =	shalt  }
0x81: {  	_ =	shalt  }
0x82: {  	_ =	shalt  }
0x83: {  	_ =	shalt  }
0x84: {  	_ =	shalt  }
0x85: {  	_ =	shalt  }
0x86: {  	_ =	shalt  }
0x87: {  	_ =	shalt  }
.Lfunc_end0:
.L_simem_size_0:
called_computation_lowered:
.L_overlay_start_0:
0x88: {  	s2 =	sld [smem:$0x3FD9]  }
0x89: {  	s3 =	sld [smem:$0x3FFE];
	_ =	sdelay $0x1  }
0x8a: {  	s1 =	srdreg.scid  }
0x8b: {  	s0 =	sand.u32 $0x1, s1  }
0x8c: {  	s17 =	sshll.u32 s0, $0xA;
	s2 =	sadd.s32 s3, s2  }
0x8d: {  	s2 =	sadd.s32 s2, s17  }
0x8e: {  	[smem:$0x3FC5] =	sst s2  }
0x8f: {  	_ = 	snop  }
0x90: {  	s2 =	sld [smem:$0x3FC7]  }
0x91: {  	s18 =	sld [smem:$0x3FD0];
	(tm) =	ssettm $0x1  }
0x92: {  	s4 =	sld [smem:$0x3FFB];
	_ =	sdelay $0x3  }
0x93: {  	_ =	strace s4  }
0x94: {  	s4 =	sld [smem:$0x3FFC];
	_ =	sdelay $0x3  }
0x95: {  	_ =	strace s4  }
0x96: {  	s4 =	sld [smem:$0x3FFD];
	_ =	sdelay $0x3  }
0x97: {  	_ =	strace s4  }
0x98: {  	_ =	strace $0x8FFFFFFF  }
0x99: {  	s19 =	sld [smem:$0x3FDB];
	_ =	sdelay $0x1  }
0x9a: {  	s5 =	simm.s32 $_scs_section_size  }
0x9b: {  	s6 =	simm.s32 $_size__tile_overlayer_lowered;
	s7 =	simm.s32 $_tile_overlayer_lowered  }
0x9c: {  	s22 =	simm.s32 $0x1BFF;
	s21 =	sshll.u32 s7, $0x1;
	s4 =	sadd.s32 s5, s19  }
0x9d: {  	s8 =	simm.s32 $0x0;
	s20 =	sshll.u32 s6, $0x1;
	s6 =	sadd.s32 s21, s4  }
0x9e: {  	[timem:s8], [sflag:s22] =	dma.local [hbm:s6], s20  }
0x9f: {  	_ =	swait.ge [sflag:s22], s20  }
0xa0: {  	s5 =	ssub.s32 $0x0, s20;
	[sflag:s22] =	ssyncset.done $0x0  }
0xa1: {  	[sflag:s22] =	ssyncadd.s32 s5;
	_ =	sdelay $0x1  }
0xa2: {  	s23 =	simm.s32 $0x1B8B  }
0xa3: {  	_ =	swait.ge [sflag:s23], $0x1  }
0xa4: {  	[sflag:s23] =	ssyncset.done $0x0  }
0xa5: {  	s25 =	simm.s32 $0x1B8E;
	s24 =	sld [smem:$0x3FFE];
	[sflag:s23] =	ssyncadd.s32 $0xFFFFFFFF  }
0xa6: {  	s26 =	simm.s32 $execute0_lowered;
	[smem:$0x3FD2] =	sst s25  }
0xa7: {  	s6 =	sshll.u32 s26, $0x1;
	_ =	strace $0x80000046;
	[dreg:$0x1] =	wrdreg $0xFFFFFFFF  }
0xa8: {  	s28 =	simm.s32 $_size_execute0_lowered;
	s4 =	sadd.s32 s4, s6;
	[dreg:$0x0] =	wrdreg $0x0  }
0xa9: {  	s6 =	sshll.u32 s28, $0x1;
	[dreg:$0x2] =	wrdreg s4  }
0xaa: {  	[dreg:$0x3] =	wrdreg s6  }
0xab: {  	[dreg:$0x4] =	wrdreg $0xC0  }
0xac: {  	_ =	task [dreg:s8], $0x5FFFF  }
0xad: {  	[dreg:$0x1] =	wrdreg $0xFFFFFFFF  }
0xae: {  	[dreg:$0x0] =	wrdreg $0x60  }
0xaf: {  	[dreg:$0x2] =	wrdreg s24  }
0xb0: {  	[dreg:$0x3] =	wrdreg s2  }
0xb1: {  	[dreg:$0x4] =	wrdreg s18  }
0xb2: {  	[dreg:$0x5] =	wrdreg $0x4E800  }
0xb3: {  	[dreg:$0x6] =	wrdreg $0x9  }
0xb4: {  	_ =	task.clear_ibuf [dreg:s8], $0x7FFFF;
	_ =	strace $0x90000046  }
0xb5: {  	s29 =	simm.s32 $0x9;
	_ =	strace $0x80000048  }
0xb6: {  	_ =	swait.ge [sflag:s29], $0x1  }
0xb7: {  	[sflag:s29] =	ssyncadd.s32 $0xFFFFFFFF  }
0xb8: {  	_ =	strace $0x90000048  }
0xb9: {  	_ =	sfence  }
0xba: {  	s30 =	sld [smem:$0x0];
	_ =	sdelay $0x2  }
0xbb: {  	s31 =	sshll.u32 s1, $0xD;
	s1 =	sshrl.u32 s1, $0x2  }
0xbc: {  	s3 =	sand.u32 $0x4000, s31;
	s1 =	sadd.s32 s1, s30  }
0xbd: {  	s0 =	sor.u32 s3, s0;
	s1 =	sshll.u32 s1, $0x11  }
0xbe: {  	s0 =	sor.u32 s1, s0  }
0xbf: {  	s0 =	sadd.s32 $0x8F2B, s0  }
0xc0: {  	[sflag:s0] =	ssyncadd.remote.s32 $0x1  }
0xc1: {  	_ =	sfence.sel $0xFFFF  }
0xc2: {  	[dreg:$0x0] =	wrdreg $0xFFFFFFFF;
	(pc) =	sbr.abs _section_cstart, $3  }
0xc3: {  	[dreg:$0x1] =	wrdreg $0xFFFFFFFF  }
0xc4: {  	_ =	task.clear_ibuf [dreg:s8], $0x2FFFF;
	_ =	strace $0x9FFFFFFF  }
0xc5: {  	(tm) =	ssettm $0x7FFFFFFF  }
tec
execute0_lowered:
.L_overlay_start_1:
0x0: {  	(tag) =	ssettag $0x1  }
0x1: {  	v0 =	vimm.f32 $1.500000000e+01;
	vm0 =	vcmask $0x300  }
0x2: {  	v4 =	vimm.f32 $1.000000000e+01;
	v6 =	vimm.s32 $0x76543210;
	v7 =	vimm.s32 $0xFEDCBA98  }
0x3: {  	v8 =	vimm.s32 $0xBA98FEDC;
	v9 =	vimm.s32 $0x32107654;
	v10 =	vimm.s32 $0xDCFE98BA  }
0x4: {  	v11 =	vimm.s32 $0x54761032;
	v12 =	vimm.s32 $0xEFCDAB89;
	v13 =	vimm.s32 $0x67452301  }
0x5: {  	vm7 =	vcmask $0x3F20;
	vm8 =	vcmask $0x3F1C;
	vm9 =	vcmask $0x3F18  }
0x6: {  	vm10 =	vcmask $0x3F14;
	vm11 =	vcmask $0x3F10;
	vm12 =	vcmask $0x3F0C  }
0x7: {  	vm13 =	vcmask $0x3F08;
	vm14 =	vmmov $0x1;
	vm15 =	vmxor vm15, vm15  }
0x8: {  	s2 =	rddreg [dreg:$0x0];
	v0 =	vsel vm0, $0x0, v0;
	vm0 =	vcmask $0x704;
	v6 =	vunpack.c.l.s4.s8 v6  }
0x9: {  	s10 =	rddreg [dreg:$0x1];
	s4 =	simm.s32 $0x0;
	v7 =	vunpack.c.l.s4.s8 v7;
	v8 =	vunpack.c.l.s4.s8 v8;
	v9 =	vunpack.c.l.s4.s8 v9  }
0xa: {  	[smem:$0x7FF] =	sst s4;
	v10 =	vunpack.c.l.s4.s8 v10;
	v11 =	vunpack.c.l.s4.s8 v11;
	v12 =	vunpack.c.l.s4.s8 v12  }
0xb: {  	s3 =	rddreg [dreg:$0x3];
	v13 =	vunpack.c.l.s4.s8 v13;
	v0 =	vsel vm0, $0x3F800000, v0;
	vm0 =	vcmask $0xB08;
	_ =	strace $0x80000047  }
0xc: {  	v0 =	vsel vm0, $0x40000000, v0;
	vm0 =	vcmask $0xF0C;
	(erf) = vrcp.f32 v4  }
0xd: {  	v4 =	vimm.f32 $5.000000000e+00;
	v0 =	vsel vm0, $0x40400000, v0;
	vm0 =	vcmask $0x1310  }
0xe: {  	v8 =	vunpack.c.0.s8.s32 v8;
	v0 =	vsel vm0, $0x40800000, v0;
	vm0 =	vcmask $0x1714  }
0xf: {  	v9 =	vunpack.c.0.s8.s32 v9;
	v0 =	vsel vm0, $0x40A00000, v0;
	vm0 =	vcmask $0x1B18  }
0x10: {  	v10 =	vunpack.c.0.s8.s32 v10;
	v0 =	vsel vm0, $0x40C00000, v0;
	vm0 =	vcmask $0x1F1C  }
0x11: {  	v11 =	vunpack.c.0.s8.s32 v11;
	v0 =	vsel vm0, $0x40E00000, v0;
	vm0 =	vcmask $0x2320  }
0x12: {  	v7 =	vunpack.c.0.s8.s32 v7;
	v0 =	vsel vm0, $0x41000000, v0;
	vm0 =	vcmask $0x2724  }
0x13: {  	s12 =	stileid.u32;
	s29 =	srdreg.scid;
	v12 =	vunpack.c.0.s8.s32 v12;
	v0 =	vsel vm0, $0x41100000, v0;
	vm0 =	vcmask $0x2B28  }
0x14: {  	s13 =	simm.s32 $0x2D00;
	s14 =	simm.s32 $0x3200;
	s15 =	simm.s32 $0x3700;
	v13 =	vunpack.c.0.s8.s32 v13;
	v0 =	vsel vm0, $0x41200000, v0;
	vm0 =	vcmask $0x2F2C  }
0x15: {  	s16 =	simm.s32 $0x3C00;
	s17 =	simm.s32 $0x2800;
	s18 =	simm.s32 $0x4100;
	v14 =	vunpack.c.0.s8.s32 v6;
	v0 =	vsel vm0, $0x41300000, v0;
	vm0 =	vcmask $0x3330  }
0x16: {  	s20 =	simm.s32 $0x4C00;
	s21 =	simm.s32 $0x2;
	s22 =	simm.s32 $0x4B00;
	(erf) = vrcp.f32 v4;
	v1 =	vsel vm0, $0x41400000, v0;
	vm0 =	vcmask $0x3734  }
0x17: {  	s23 =	simm.s32 $0x4C80;
	s24 =	simm.s32 $0x0;
	s5 =	smul.u32 $0x500, s12;
	v8 =	vcombine.low v9, v8;
	v3 =	vsel vm0, $0x41500000, v1;
	v1 =	vlaneseq.u32  }
0x18: {  	s25 =	simm.s32 $0x0;
	s1 =	smul.u32 $0x280, s12;
	s8 =	sadd.s32 $0x2B80, s2;
	v9 =	vcombine.low v11, v10;
	v2 =	vmul.u32 $0x4, v1;
	v1 =	vmul.u32 $0x10, v1  }
0x19: {  	s9 =	sadd.s32 $0x5380, s2;
	s31 =	sshll.u32 s12, $0x6;
	s0 =	scvt.s32.f32 s5;
	v7 =	vand.u32 $0xF, v7;
	v10 =	vcombine.low v13, v12;
	vm0 =	vcmask $0x3B38  }
0x1a: {  	p0 =	seq.s32 s12, $0xF;
	s19 =	sshrl.u32 s31, $0x2;
	s1 =	sadd.s32 s1, s2;
	v7 =	vcombine.low v7, v14;
	v3 =	vsel vm0, $0x41600000, v3;
	v11 =	vor.u32 $0x1, v1;
	[tilespmem:$0x1FFC0] =	vst v1  }
0x1b: {  	s5 =	sshrl.u32 s5, $0x3;
	s30 =	sadd.s32 $0x600, s1;
	v0 =	vmov s0;
	v3 =	vadd.f32 s0, v3;
	s0 =	sand.u32 $0x1, s29;
	[tilespmem:$0x1FFA0] =	vst v11;
	v11 =	vor.u32 $0x2, v1  }
0x1c: {  	s1 =	sadd.s32 $0x2E00, s1;
	[dreg:$0x5] =	wrdreg s30;
	s6 =	ssub.s32 $0x2, s0;
	v14 =	vor.u32 $0x4, v1;
	[tilespmem:$0x1FFB0] =	vst v11;
	v11 =	vor.u32 $0xA, v1;
	v1 =	vor.u32 $0x3, v1  }
0x1d: {  	[dreg:$0x6] =	wrdreg s1;
	v8 =	vand.u32 $0xF, v8;
	v9 =	vand.u32 $0xF, v9;
	s0 =	sor.u32 s0, s12;
	s7 =	sshrl.u32 s6, $0x1;
	[tilespmem:$0x1FFD0] =	vst v1;
	v1 =	vperm.xlane v11, v7  }
0x1e: {  	v10 =	vand.u32 $0xF, v10;
	v16 =	vpop (erf);
	vm0 =	vmmov $0x1f;
	v4 =	vor.u32 $0x1, v2;
	s12 =	simm.s32 $0x1400;
	p1 =	sne.s32 s0, $0x0;
	s6 =	ssub.s32 s6, s7;
	[tilespmem:$0x1FFE0] =	vst v11  }
0x1f: {  	v20 =	vpop (erf);
	v5 =	vor.u32 $0x2, v2;
	v6 =	vor.u32 $0x3, v2;
	v18 =	vperm.xlane v14, v7;
	s7 =	sadd.s32 s10, s5;
	s10 =	sadd.s32 $0x960, s10;
	s11 =	smax.u32 s6, $0x1;
	[tilespmem:$0x1FFF0] =	vst v1  }
.LBB2_1:
0x20: {  	s0 =	simm.s32 @p0 $0x0  }
0x21: {  	[tilespmem:s0], [sflag:$0x1] =	stream.linear.gather @p0 [hbm4b:s8+s0], $0xC80, $0x38;
	[tilespmem:$0x4EA0] =	vst v63  }
0x22: {  	s1 =	simm.s32 @p0 $0x1400  }
0x23: {  	[tilespmem:s1], [sflag:$0x1] =	stream.linear.gather @p0 [hbm4b:s9+s0], $0xC80, $0x38;
	[tilespmem:$0x4EA0] =	vst v63  }
0x24: {  	s1 =	simm.s32 @p0 $0x2800  }
0x25: {  	[tilespmem:s1], [sflag:$0x1] =	stream.linear.gather @p0 [hbm4b:s10+s0], $0x320, $0x38;
	[tilespmem:$0x4EA0] =	vst v63  }
0x26: {  	s0 =	simm.s32 @p0 $0x1  }
0x27: {  	_ =	swait.ge @p0 [sflag:s0], $0xC80  }
0x28: {  	[sflag:s0] =	ssyncset.done @p0 $0x0  }
0x29: {  	[sflag:s0] =	ssyncadd.s32 @p0 $0xFFFFF380  }
0x2a: {  	_ =	swait.ge @p0 [sflag:s0], $0xC80  }
0x2b: {  	[sflag:s0] =	ssyncset.done @p0 $0x0  }
0x2c: {  	[sflag:s0] =	ssyncadd.s32 @p0 $0xFFFFF380  }
0x2d: {  	_ =	swait.ge @p0 [sflag:s0], $0x320  }
0x2e: {  	[sflag:s0] =	ssyncset.done @p0 $0x0  }
0x2f: {  	s1 =	rddreg [dreg:$0x5];
	[sflag:s0] =	ssyncadd.s32 @p0 $0xFFFFFCE0;
	s0 =	simm.s32 @!p0 $0x0  }
0x30: {  	[tilespmem:s0], [sflag:$0x1] =	stream.linear.gather @!p0 [hbm4b:s1+s0], $0x1400, $0x38;
	[tilespmem:$0x4EA0] =	vst v63  }
0x31: {  	s2 =	rddreg [dreg:$0x6];
	s1 =	simm.s32 @!p0 $0x1400  }
0x32: {  	[tilespmem:s1], [sflag:$0x1] =	stream.linear.gather @!p0 [hbm4b:s2+s0], $0x1400, $0x38;
	[tilespmem:$0x4EA0] =	vst v63  }
0x33: {  	s1 =	simm.s32 @!p0 $0x2800  }
0x34: {  	[tilespmem:s1], [sflag:$0x1] =	stream.linear.gather @!p0 [hbm4b:s7+s0], $0x500, $0x38;
	[tilespmem:$0x4EA0] =	vst v63  }
0x35: {  	s0 =	simm.s32 @!p0 $0x1  }
0x36: {  	_ =	swait.ge @!p0 [sflag:s0], $0x1400  }
0x37: {  	[sflag:s0] =	ssyncset.done @!p0 $0x0  }
0x38: {  	[sflag:s0] =	ssyncadd.s32 @!p0 $0xFFFFEC00  }
0x39: {  	_ =	swait.ge @!p0 [sflag:s0], $0x1400  }
0x3a: {  	v22 =	vor.u32 s4, v5;
	[sflag:s0] =	ssyncset.done @!p0 $0x0  }
0x3b: {  	v23 =	vor.u32 s4, v6;
	[sflag:s0] =	ssyncadd.s32 @!p0 $0xFFFFEC00  }
0x3c: {  	_ =	swait.ge @!p0 [sflag:s0], $0x500  }
0x3d: {  	[sflag:s0] =	ssyncset.done @!p0 $0x0  }
0x3e: {  	[sflag:s0] =	ssyncadd.s32 @!p0 $0xFFFFFB00  }
0x3f: {  	v24 =	vld.idx.msk [tilespmem:v22+s12+$0x0], $0xffff  }
0x40: {  	v25 =	vld.idx.msk [tilespmem:v23+s12+$0x0], $0xffff  }
0x41: {  	v26 =	vor.u32 s4, v2;
	_ =	sdelay $0x2  }
0x42: {  	v27 =	vor.u32 s4, v4;
	v24 =	vmul.f32 v24, v20  }
0x43: {  	v25 =	vmul.f32 v25, v20  }
0x44: {  	v28 =	vld.idx.msk [tilespmem:v26+s4+$0x0], $0xffff;
	v24 =	vmin.f32 v24, $4.000000000e+00  }
0x45: {  	v22 =	vld.idx.msk [tilespmem:v22+s4+$0x0], $0xffff;
	v25 =	vmin.f32 v25, $4.000000000e+00;
	v24 =	vmul.f32 $1.442695020e+00, v24  }
0x46: {  	v23 =	vld.idx.msk [tilespmem:v23+s4+$0x0], $0xffff;
	v25 =	vmul.f32 $1.442695020e+00, v25  }
0x47: {  	v29 =	vld.idx.msk [tilespmem:v27+s4+$0x0], $0xffff;
	(erf) = vpow2.f32 v24  }
0x48: {  	(erf) = vpow2.f32 v25  }
0x49: {  	v24 =	vld.idx.msk [tilespmem:v26+s12+$0x0], $0xffff  }
0x4a: {  	v22 =	vsub.f32 v22, v28;
	v25 =	vld.idx.msk [tilespmem:v27+s12+$0x0], $0xffff;
	_ =	sdelay $0x1  }
0x4b: {  	v23 =	vsub.f32 v23, v29;
	v22 =	vadd.f32 $1.000000000e+00, v22;
	_ =	sdelay $0x1  }
0x4c: {  	v23 =	vadd.f32 $1.000000000e+00, v23;
	v26 =	vmul.f32 $5.000000000e-01, v22  }
0x4d: {  	v24 =	vmul.f32 v24, v16;
	v25 =	vmul.f32 v25, v16  }
0x4e: {  	s28 =	simm.s32 $0x0;
	v30 =	vmul.f32 $5.000000000e-01, v23;
	v31 =	vpop (erf)  }
0x4f: {  	v27 =	vld [tilespmem:s28+$0x2800];
	v26 =	vadd.f32 v26, v28;
	v24 =	vmul.f32 v24, v22;
	v25 =	vmul.f32 v25, v23;
	v28 =	vpop (erf)  }
0x50: {  	v29 =	vadd.f32 v30, v29;
	v22 =	vmul.f32 v31, v22;
	v23 =	vmul.f32 v28, v23  }
0x51: {  	s31 =	scvt.s32.f32 s4;
	v24 =	vadd.f32 v26, v24  }
0x52: {  	v25 =	vadd.f32 v29, v25;
	v26 =	vmul.f32 $5.000000000e-01, v22;
	v23 =	vmul.f32 $5.000000000e-01, v23  }
0x53: {  	v22 =	vadd.f32 s31, v3  }
0x54: {  	vm1 =	vgt.f32 v27, $5.000000070e-02;
	v28 =	vadd.f32 v26, v24;
	v29 =	vadd.f32 v23, v25  }
0x55: {  	vm2 =	vlt.f32 v22, $2.000000000e+04;
	v24 =	vsub.f32 v24, v26;
	v23 =	vsub.f32 v25, v23  }
0x56: {  	vm1 =	vmand vm2, vm1;
	v25 =	vadd.f32 $-1.000000000e+00, v28;
	v26 =	vadd.f32 $-1.000000000e+00, v29  }
0x57: {  	v27 =	vnsel vm1, $0xFF800000, v27;
	v24 =	vmax.f32 v24, $0.0e+00;
	v23 =	vmax.f32 v23, $0.0e+00  }
0x58: {  	v24 =	vmin.f32 v24, $1.023000000e+03;
	v25 =	vmax.f32 v25, $0.0e+00;
	v26 =	vmax.f32 v26, $0.0e+00  }
0x59: {  	[tilespmem:s28+$0x4600] =	vst v27;
	v23 =	vmin.f32 v23, $1.023000000e+03;
	v25 =	vmin.f32 v25, $1.023000000e+03;
	v26 =	vmin.f32 v26, $1.023000000e+03  }
0x5a: {  	[tilespmem:s28+$0x2D00] =	vst v24;
	v24 =	vsub.f32 v25, v24;
	v29 =	vsub.f32 v26, v23  }
0x5b: {  	s26 =	simm.s32 $0x40;
	[tilespmem:s28+$0x3200] =	vst v23  }
0x5c: {  	v28 =	vor.u32 s26, v5;
	[tilespmem:s28+$0x3700] =	vst v25;
	v30 =	vadd.f32 $1.000000000e+00, v24;
	v31 =	vadd.f32 $1.000000000e+00, v29  }
0x5d: {  	s29 =	simm.s32 $0x20;
	s2 =	simm.s32 $0x10;
	v25 =	vimm.f32 $-Inf;
	[tilespmem:s28+$0x3C00] =	vst v26;
	v23 =	vmovc v3;
	v24 =	vimm.f32 $-Inf;
	v29 =	vor.u32 s26, v6;
	v26 =	vmovc v3  }
.LBB2_2:
0x5e: {  	p2 =	sne.s32 s29, $0x4F0;
	v32 =	vor.u32 s26, v2;
	v30 =	vmul.f32 v31, v30;
	vm1 =	vgt.f32 v27, v25  }
0x5f: {  	vm2 =	vgt.f32 v27, v24;
	v25 =	vsel vm1, v27, v25;
	v26 =	vsel vm1, v22, v26  }
0x60: {  	[tilespmem:s28+$0x4100] =	vst v30;
	v25 =	vsel vm2, v24, v25;
	v26 =	vsel vm2, v23, v26;
	v24 =	vsel vm2, v27, v24  }
0x61: {  	v23 =	vsel vm2, v22, v23;
	v27 =	vld.idx.msk [tilespmem:v28+s12+$0x0], $0xffff  }
0x62: {  	v22 =	vld.idx.msk [tilespmem:v29+s12+$0x0], $0xffff  }
0x63: {  	v30 =	vld.idx.msk [tilespmem:v32+s12+$0x0], $0xffff  }
0x64: {  	v29 =	vld.idx.msk [tilespmem:v29+s25+$0x0], $0xffff  }
0x65: {  	s28 =	sshra.s32 s26, $0x2  }
0x66: {  	v31 =	vor.u32 s26, v4;
	v33 =	vld [tilespmem:s28+$0x2800]  }
0x67: {  	s0 =	scvt.s32.f32 s2;
	s2 =	smov.u32 s29;
	v27 =	vmul.f32 v27, v20  }
0x68: {  	v34 =	vmul.f32 v22, v20  }
0x69: {  	v22 =	vadd.f32 s0, v3;
	v30 =	vmul.f32 v30, v16;
	v27 =	vmin.f32 v27, $4.000000000e+00;
	v32 =	vld.idx.msk [tilespmem:v32+s25+$0x0], $0xffff  }
0x6a: {  	v34 =	vmin.f32 v34, $4.000000000e+00;
	v27 =	vmul.f32 $1.442695020e+00, v27;
	v28 =	vld.idx.msk [tilespmem:v28+s25+$0x0], $0xffff  }
0x6b: {  	vm2 =	vlt.f32 v22, $2.000000000e+04;
	v34 =	vmul.f32 $1.442695020e+00, v34;
	v35 =	vld.idx.msk [tilespmem:v31+s25+$0x0], $0xffff;
	vm1 =	vgt.f32 v33, $5.000000070e-02  }
0x6c: {  	vm1 =	vmand vm2, vm1;
	(erf) = vpow2.f32 v27  }
0x6d: {  	v27 =	vnsel vm1, $0xFF800000, v33;
	(erf) = vpow2.f32 v34  }
0x6e: {  	v31 =	vld.idx.msk [tilespmem:v31+s12+$0x0], $0xffff;
	[tilespmem:s28+$0x4600] =	vst v27;
	_ =	sdelay $0x1  }
0x6f: {  	v28 =	vsub.f32 v28, v32  }
0x70: {  	v29 =	vsub.f32 v29, v35  }
0x71: {  	v28 =	vadd.f32 $1.000000000e+00, v28  }
0x72: {  	v29 =	vadd.f32 $1.000000000e+00, v29  }
0x73: {  	v1 =	vmul.f32 $5.000000000e-01, v28;
	v31 =	vmul.f32 v31, v16  }
0x74: {  	v30 =	vmul.f32 v30, v28;
	v34 =	vmul.f32 $5.000000000e-01, v29;
	v36 =	vpop (erf)  }
0x75: {  	v32 =	vadd.f32 v1, v32;
	v31 =	vmul.f32 v31, v29;
	v33 =	vpop (erf)  }
0x76: {  	v34 =	vadd.f32 v34, v35;
	v28 =	vmul.f32 v36, v28;
	v29 =	vmul.f32 v33, v29  }
0x77: {  	v30 =	vadd.f32 v32, v30  }
0x78: {  	v31 =	vadd.f32 v34, v31;
	v28 =	vmul.f32 $5.000000000e-01, v28;
	v29 =	vmul.f32 $5.000000000e-01, v29;
	_ =	sdelay $0x1  }
0x79: {  	v32 =	vadd.f32 v28, v30;
	v33 =	vadd.f32 v29, v31  }
0x7a: {  	v28 =	vsub.f32 v30, v28;
	v29 =	vsub.f32 v31, v29  }
0x7b: {  	v30 =	vadd.f32 $-1.000000000e+00, v32;
	v31 =	vadd.f32 $-1.000000000e+00, v33  }
0x7c: {  	v28 =	vmax.f32 v28, $0.0e+00;
	v29 =	vmax.f32 v29, $0.0e+00  }
0x7d: {  	v28 =	vmin.f32 v28, $1.023000000e+03;
	v30 =	vmax.f32 v30, $0.0e+00;
	v31 =	vmax.f32 v31, $0.0e+00  }
.Ltmp0:
0x7e: {  	v29 =	vmin.f32 v29, $1.023000000e+03;
	v30 =	vmin.f32 v30, $1.023000000e+03;
	v31 =	vmin.f32 v31, $1.023000000e+03;
	[tilespmem:s28+$0x2D00] =	vst v28;
	(pc) =	sbr.rel @p2 .LBB2_2-.Ltmp0, $4  }
0x7f: {  	[tilespmem:s28+$0x3700] =	vst v30;
	v30 =	vsub.f32 v30, v28;
	v32 =	vsub.f32 v31, v29  }
0x80: {  	s26 =	sadd.s32 $0x40, s26;
	[tilespmem:s28+$0x3C00] =	vst v31  }
0x81: {  	v28 =	vor.u32 s26, v5;
	[tilespmem:s28+$0x3200] =	vst v29;
	v30 =	vadd.f32 $1.000000000e+00, v30;
	v31 =	vadd.f32 $1.000000000e+00, v32  }
0x82: {  	s29 =	sadd.s32 $0x10, s29;
	v29 =	vor.u32 s26, v6  }
0x83: {  	_ = 	snop  }
0x84: {  	v30 =	vmul.f32 v31, v30;
	_ =	sdelay $0x1  }
0x85: {  	[tilespmem:s28+$0x4100] =	vst v30  }
0x86: {  	v30 =	vld.idx.msk [tilespmem:v28+s12+$0x0], $0xffff  }
0x87: {  	v45 =	vld.idx.msk [tilespmem:v29+s12+$0x0], $0xffff;
	_ =	sdelay $0x2  }
0x88: {  	v32 =	vor.u32 s26, v2  }
0x89: {  	v33 =	vor.u32 s26, v4;
	v30 =	vmul.f32 v30, v20  }
0x8a: {  	v31 =	vmul.f32 v45, v20  }
0x8b: {  	v46 =	vld.idx.msk [tilespmem:v29+s25+$0x0], $0xffff;
	v30 =	vmin.f32 v30, $4.000000000e+00  }
0x8c: {  	v47 =	vld.idx.msk [tilespmem:v28+s25+$0x0], $0xffff;
	v31 =	vmin.f32 v31, $4.000000000e+00;
	v30 =	vmul.f32 $1.442695020e+00, v30  }
0x8d: {  	v34 =	vld.idx.msk [tilespmem:v32+s25+$0x0], $0xffff;
	v31 =	vmul.f32 $1.442695020e+00, v31  }
0x8e: {  	v35 =	vld.idx.msk [tilespmem:v33+s25+$0x0], $0xffff;
	(erf) = vpow2.f32 v30  }
0x8f: {  	(erf) = vpow2.f32 v31  }
0x90: {  	v48 =	vld.idx.msk [tilespmem:v32+s12+$0x0], $0xffff  }
0x91: {  	v49 =	vld.idx.msk [tilespmem:v33+s12+$0x0], $0xffff  }
0x92: {  	v28 =	vsub.f32 v47, v34  }
0x93: {  	v29 =	vsub.f32 v46, v35  }
0x94: {  	v28 =	vadd.f32 $1.000000000e+00, v28  }
0x95: {  	v29 =	vadd.f32 $1.000000000e+00, v29;
	v30 =	vmul.f32 v48, v16  }
0x96: {  	v50 =	vmul.f32 $5.000000000e-01, v28;
	v31 =	vmul.f32 v49, v16  }
0x97: {  	v51 =	vmul.f32 $5.000000000e-01, v29;
	v36 =	vpop (erf)  }
0x98: {  	v30 =	vmul.f32 v30, v28;
	v32 =	vadd.f32 v50, v34;
	v31 =	vmul.f32 v31, v29;
	v52 =	vpop (erf)  }
0x99: {  	s0 =	sshra.s32 s26, $0x2;
	v33 =	vadd.f32 v51, v35;
	v28 =	vmul.f32 v36, v28;
	v29 =	vmul.f32 v52, v29  }
0x9a: {  	s1 =	scvt.s32.f32 s2;
	v53 =	vld [tilespmem:s0+$0x2800];
	v30 =	vadd.f32 v32, v30  }
0x9b: {  	v31 =	vadd.f32 v33, v31;
	v28 =	vmul.f32 $5.000000000e-01, v28;
	v29 =	vmul.f32 $5.000000000e-01, v29  }
0x9c: {  	v54 =	vadd.f32 s1, v3  }
0x9d: {  	vm1 =	vgt.f32 v27, v25;
	v55 =	vadd.f32 v28, v30;
	v56 =	vadd.f32 v29, v31  }
0x9e: {  	vm3 =	vlt.f32 v54, $2.000000000e+04;
	v28 =	vsub.f32 v30, v28;
	v29 =	vsub.f32 v31, v29  }
0x9f: {  	vm2 =	vgt.f32 v53, $5.000000070e-02;
	v57 =	vadd.f32 $-1.000000000e+00, v55;
	v58 =	vadd.f32 $-1.000000000e+00, v56  }
0xa0: {  	vm2 =	vmand vm3, vm2;
	v28 =	vmax.f32 v28, $0.0e+00;
	v29 =	vmax.f32 v29, $0.0e+00  }
0xa1: {  	v28 =	vmin.f32 v28, $1.023000000e+03;
	v30 =	vmax.f32 v57, $0.0e+00;
	v31 =	vmax.f32 v58, $0.0e+00  }
0xa2: {  	v29 =	vmin.f32 v29, $1.023000000e+03;
	v30 =	vmin.f32 v30, $1.023000000e+03;
	v31 =	vmin.f32 v31, $1.023000000e+03  }
0xa3: {  	v59 =	vnsel vm2, $0xFF800000, v53;
	v60 =	vsub.f32 v30, v28;
	v61 =	vsub.f32 v31, v29  }
0xa4: {  	v25 =	vsel vm1, v27, v25;
	v26 =	vsel vm1, v22, v26;
	vm2 =	vgt.f32 v27, v24;
	[tilespmem:s0+$0x4600] =	vst v59  }
0xa5: {  	v25 =	vsel vm2, v24, v25;
	[tilespmem:s0+$0x2D00] =	vst v28;
	v62 =	vadd.f32 $1.000000000e+00, v60;
	v63 =	vadd.f32 $1.000000000e+00, v61  }
0xa6: {  	v26 =	vsel vm2, v23, v26;
	v27 =	vsel vm2, v27, v24;
	vm1 =	vgt.f32 v59, v25;
	[tilespmem:s0+$0x3200] =	vst v29  }
0xa7: {  	vm3 =	vgt.f32 v59, v27;
	v24 =	vsel vm1, v59, v25;
	[tilespmem:s0+$0x3700] =	vst v30;
	v28 =	vmul.f32 v63, v62  }
0xa8: {  	v25 =	vsel vm2, v22, v23;
	v22 =	vsel vm1, v54, v26;
	v24 =	vsel vm3, v27, v24;
	[tilespmem:s0+$0x3C00] =	vst v31  }
0xa9: {  	s26 =	simm.s32 $0x0;
	s29 =	simm.s32 $0x0;
	v23 =	vsel vm3, v25, v22;
	v22 =	vsel vm3, v59, v27;
	v25 =	vsel vm3, v54, v25;
	[tilespmem:s0+$0x4100] =	vst v28  }
.LBB2_4:
0xaa: {  	v26 =	vperm.xlane v22, v7;
	v27 =	vperm.xlane v25, v7;
	_ =	sdelay $0x1  }
0xab: {  	vm1 =	veq.f32 v22, v26;
	vm2 =	vlt.f32 v25, v27  }
0xac: {  	vm3 =	vgt.f32 v22, v26;
	vm1 =	vmand vm1, vm2  }
0xad: {  	v28 =	vperm.xlane v24, v7;
	v29 =	vperm.xlane v23, v7;
	vm1 =	vmor vm3, vm1  }
0xae: {  	v30 =	vsel vm1, v22, v26;
	v31 =	vsel vm1, v25, v27;
	v22 =	vsel vm1, v26, v22  }
0xaf: {  	v25 =	vsel vm1, v27, v25;
	v24 =	vsel vm1, v24, v28;
	v23 =	vsel vm1, v23, v29  }
0xb0: {  	vm1 =	vgt.f32 v22, v24;
	vm2 =	veq.f32 v22, v24;
	vm3 =	vlt.f32 v25, v23  }
0xb1: {  	v26 =	vperm.xlane v30, v8;
	v27 =	vperm.xlane v31, v8;
	vm2 =	vmand vm2, vm3  }
0xb2: {  	vm1 =	vmor vm1, vm2  }
0xb3: {  	vm2 =	veq.f32 v30, v26;
	vm3 =	vlt.f32 v31, v27;
	v22 =	vsel vm1, v22, v24  }
0xb4: {  	v23 =	vsel vm1, v25, v23;
	vm1 =	vgt.f32 v30, v26;
	vm2 =	vmand vm2, vm3  }
0xb5: {  	v24 =	vperm.xlane v22, v8;
	v25 =	vperm.xlane v23, v8;
	vm1 =	vmor vm1, vm2  }
0xb6: {  	v28 =	vsel vm1, v30, v26;
	v29 =	vsel vm1, v31, v27;
	v26 =	vsel vm1, v26, v30  }
0xb7: {  	v27 =	vsel vm1, v27, v31;
	v22 =	vsel vm1, v22, v24;
	v23 =	vsel vm1, v23, v25  }
0xb8: {  	v24 =	vperm.xlane v28, v9;
	vm2 =	veq.f32 v26, v22;
	vm3 =	vlt.f32 v27, v23  }
0xb9: {  	v25 =	vperm.xlane v29, v9;
	vm1 =	vgt.f32 v26, v22;
	vm2 =	vmand vm2, vm3  }
0xba: {  	vm1 =	vmor vm1, vm2  }
0xbb: {  	vm3 =	vlt.f32 v29, v25;
	vm2 =	veq.f32 v28, v24;
	v22 =	vsel vm1, v26, v22  }
0xbc: {  	v23 =	vsel vm1, v27, v23;
	vm1 =	vgt.f32 v28, v24;
	vm2 =	vmand vm2, vm3  }
0xbd: {  	v26 =	vperm.xlane v22, v9;
	v27 =	vperm.xlane v23, v9;
	vm1 =	vmor vm1, vm2  }
0xbe: {  	v30 =	vsel vm1, v28, v24;
	v31 =	vsel vm1, v29, v25;
	v24 =	vsel vm1, v24, v28  }
0xbf: {  	v25 =	vsel vm1, v25, v29;
	v22 =	vsel vm1, v22, v26;
	v23 =	vsel vm1, v23, v27  }
0xc0: {  	v26 =	vperm.xlane v30, v10;
	vm2 =	veq.f32 v24, v22;
	vm3 =	vlt.f32 v25, v23  }
0xc1: {  	v27 =	vperm.xlane v31, v10;
	vm1 =	vgt.f32 v24, v22;
	vm2 =	vmand vm2, vm3  }
0xc2: {  	vm1 =	vmor vm1, vm2  }
0xc3: {  	vm3 =	vlt.f32 v31, v27;
	vm2 =	veq.f32 v30, v26;
	v22 =	vsel vm1, v24, v22  }
0xc4: {  	v23 =	vsel vm1, v25, v23;
	vm1 =	vgt.f32 v30, v26;
	vm2 =	vmand vm2, vm3  }
0xc5: {  	v24 =	vperm.xlane v22, v10;
	v25 =	vperm.xlane v23, v10;
	vm1 =	vmor vm1, vm2  }
0xc6: {  	v28 =	vsel vm1, v26, v30  }
0xc7: {  	v29 =	vsel vm1, v27, v31;
	v22 =	vsel vm1, v22, v24;
	v23 =	vsel vm1, v23, v25  }
0xc8: {  	vm2 =	veq.f32 v28, v22;
	vm3 =	vlt.f32 v29, v23  }
0xc9: {  	vm2 =	vmand vm2, vm3;
	vm3 =	vgt.f32 v28, v22  }
0xca: {  	vm2 =	vmor vm3, vm2  }
0xcb: {  	v23 =	vsel vm2, v29, v23  }
0xcc: {  	v24 =	vsub.f32 v23, v0;
	_ =	sdelay $0x1  }
0xcd: {  	v24 =	vtrunc.f32 v24  }
0xce: {  	v24 =	vcvt.f32.s32 v24;
	_ =	sdelay $0x1  }
0xcf: {  	v25 =	vsel vm1, v31, v27  }
0xd0: {  	v27 =	vsub.f32 v25, v0;
	_ =	sdelay $0x1  }
0xd1: {  	v27 =	vtrunc.f32 v27  }
0xd2: {  	v27 =	vcvt.f32.s32 v27;
	v29 =	vld.idx.msk [tilespmem:v24+s17+$0x0], $0xffff  }
0xd3: {  	v31 =	vld.idx.msk [tilespmem:v24+s18+$0x0], $0xffff  }
0xd4: {  	v32 =	vld.idx.msk [tilespmem:v24+s16+$0x0], $0xffff  }
0xd5: {  	v33 =	vld.idx.msk [tilespmem:v24+s15+$0x0], $0xffff  }
0xd6: {  	v34 =	vld.idx.msk [tilespmem:v24+s14+$0x0], $0xffff  }
0xd7: {  	vm3 =	vcmask $0x3F3C;
	v24 =	vld.idx.msk [tilespmem:v24+s13+$0x0], $0xffff  }
0xd8: {  	v35 =	vld.idx.msk [tilespmem:v27+s18+$0x0], $0xffff;
	v29 =	vsel vm3, v31, v29;
	vm3 =	vcmask $0x3F38  }
0xd9: {  	v31 =	vld.idx.msk [tilespmem:v27+s17+$0x0], $0xffff;
	v29 =	vsel vm3, v29, v32;
	vm3 =	vcmask $0x3F34  }
0xda: {  	v38 =	vld.idx.msk [tilespmem:v27+s16+$0x0], $0xffff;
	v29 =	vsel vm3, v29, v33;
	vm3 =	vcmask $0x3F30  }
0xdb: {  	v39 =	vld.idx.msk [tilespmem:v27+s15+$0x0], $0xffff;
	v29 =	vsel vm3, v29, v34;
	vm3 =	vcmask $0x3F2C  }
0xdc: {  	v40 =	vld.idx.msk [tilespmem:v27+s14+$0x0], $0xffff;
	v24 =	vsel vm3, v29, v24;
	vm3 =	vcmask $0x3F28  }
0xdd: {  	v27 =	vld.idx.msk [tilespmem:v27+s13+$0x0], $0xffff;
	v24 =	vsel vm3, v24, v35;
	vm3 =	vcmask $0x3F24  }
0xde: {  	v24 =	vsel vm3, v24, v31  }
0xdf: {  	v24 =	vsel vm7, v24, v38  }
0xe0: {  	v24 =	vsel vm8, v24, v39  }
0xe1: {  	v24 =	vsel vm9, v24, v40  }
0xe2: {  	v24 =	vsel vm10, v24, v27  }
0xe3: {  	v22 =	vsel vm2, v28, v22;
	v23 =	vsel vm11, v24, v23  }
0xe4: {  	s0 =	sshll.u32 s26, $0x8;
	v22 =	vsel vm12, v23, v22  }
0xe5: {  	s0 =	sand.u32 $0x100, s0;
	v23 =	vsel vm1, v30, v26;
	v22 =	vsel vm13, v22, v25  }
0xe6: {  	s0 =	sadd.s32 s0, s3;
	v22 =	vsel vm14, v23, v22  }
0xe7: {  	s1 =	sadd.s32 s19, s0;
	[tilespmem:$0x4C00] =	vst v22  }
0xe8: {  	[spmem:s1] =	stream.linear.scatter [tilespmem:s20], [sflag:$0x2], $0x10, $0x38;
	[tilespmem:$0x4EA0] =	vst v63  }
0xe9: {  	_ =	swait.ge [sflag:s21], $0x10  }
0xea: {  	[sflag:s21] =	ssyncset.done $0x0  }
0xeb: {  	[sflag:s21] =	ssyncadd.s32 $0xFFFFFFF0  }
0xec: {  	[bflag:$0x0] =	sbarrier.arrive $0xFFFF  }
0xed: {  	[tilespmem:s22], [sflag:$0x2] =	stream.linear.gather [spmem:s0], $0x100, $0x38;
	[tilespmem:$0x4EA0] =	vst v63  }
0xee: {  	_ =	swait.ge [sflag:s21], $0x100  }
0xef: {  	v1 =	vld [tilespmem:$0x1FFC0];
	_ =	sdelay $0x5  }
0xf0: {  	[sflag:s21] =	ssyncset.done $0x0  }
0xf1: {  	[sflag:s21] =	ssyncadd.s32 $0xFFFFFF00  }
0xf2: {  	v22 =	vld.idx.msk [tilespmem:v1+s22+$0x0], $0xffff  }
0xf3: {  	v1 =	vld [tilespmem:$0x1FFA0];
	_ =	sdelay $0x7  }
0xf4: {  	v23 =	vld.idx.msk [tilespmem:v1+s22+$0x0], $0xffff  }
0xf5: {  	v1 =	vld [tilespmem:$0x1FFB0];
	_ =	sdelay $0x7  }
0xf6: {  	v24 =	vld.idx.msk [tilespmem:v1+s22+$0x0], $0xffff  }
0xf7: {  	v1 =	vld [tilespmem:$0x1FFD0];
	_ =	sdelay $0x7  }
0xf8: {  	v25 =	vld.idx.msk [tilespmem:v1+s22+$0x0], $0xffff  }
0xf9: {  	v26 =	vperm.xlane v22, v7;
	v27 =	vperm.xlane v23, v7;
	_ =	sdelay $0x1  }
0xfa: {  	vm1 =	veq.f32 v22, v26;
	vm2 =	vlt.f32 v23, v27  }
0xfb: {  	vm3 =	vgt.f32 v22, v26;
	vm1 =	vmand vm1, vm2  }
0xfc: {  	v11 =	vld [tilespmem:$0x1FFF0];
	vm1 =	vmor vm3, vm1;
	v28 =	vperm.xlane v24, v7;
	v29 =	vperm.xlane v25, v7  }
0xfd: {  	v30 =	vsel vm1, v22, v26;
	v31 =	vsel vm1, v23, v27;
	v22 =	vsel vm1, v26, v22;
	v1 =	vld [tilespmem:$0x1FFE0]  }
0xfe: {  	v23 =	vsel vm1, v27, v23;
	v24 =	vsel vm1, v24, v28;
	v25 =	vsel vm1, v25, v29  }
0xff: {  	v26 =	vsel vm1, v14, v18;
	vm2 =	veq.f32 v22, v24;
	vm3 =	vlt.f32 v23, v25  }
0x100: {  	v28 =	vperm.xlane v30, v8;
	vm2 =	vmand vm2, vm3;
	vm3 =	vgt.f32 v22, v24  }
0x101: {  	v27 =	vsel vm1, v18, v14;
	v29 =	vperm.xlane v31, v8;
	vm2 =	vmor vm3, vm2  }
0x102: {  	v41 =	vsel vm1, v1, v11;
	vm1 =	veq.f32 v30, v28;
	v22 =	vsel vm2, v22, v24  }
0x103: {  	v23 =	vsel vm2, v23, v25;
	v24 =	vsel vm2, v27, v41;
	vm2 =	vlt.f32 v31, v29  }
0x104: {  	vm3 =	vgt.f32 v30, v28;
	vm1 =	vmand vm1, vm2  }
0x105: {  	v25 =	vperm.xlane v26, v8;
	v27 =	vperm.xlane v22, v8;
	vm1 =	vmor vm3, vm1  }
0x106: {  	v42 =	vperm.xlane v23, v8;
	v43 =	vperm.xlane v24, v8;
	v44 =	vsel vm1, v30, v28  }
0x107: {  	v28 =	vsel vm1, v28, v30;
	v30 =	vsel vm1, v29, v31;
	v22 =	vsel vm1, v22, v27  }
0x108: {  	v23 =	vsel vm1, v23, v42;
	v27 =	vsel vm1, v31, v29;
	v29 =	vsel vm1, v26, v25  }
0x109: {  	vm2 =	veq.f32 v28, v22;
	vm3 =	vlt.f32 v30, v23;
	v31 =	vperm.xlane v44, v9  }
0x10a: {  	v45 =	vperm.xlane v27, v9;
	vm2 =	vmand vm2, vm3;
	vm3 =	vgt.f32 v28, v22  }
0x10b: {  	v25 =	vsel vm1, v25, v26;
	v24 =	vsel vm1, v24, v43;
	vm2 =	vmor vm3, vm2  }
0x10c: {  	vm1 =	veq.f32 v44, v31;
	vm3 =	vlt.f32 v27, v45;
	v22 =	vsel vm2, v28, v22  }
0x10d: {  	v23 =	vsel vm2, v30, v23;
	v24 =	vsel vm2, v25, v24;
	vm2 =	vgt.f32 v44, v31  }
0x10e: {  	vm1 =	vmand vm1, vm3;
	v25 =	vperm.xlane v29, v9;
	v26 =	vperm.xlane v22, v9  }
0x10f: {  	vm1 =	vmor vm2, vm1;
	v28 =	vperm.xlane v23, v9;
	v30 =	vperm.xlane v24, v9  }
0x110: {  	v46 =	vsel vm1, v44, v31;
	v47 =	vsel vm1, v27, v45;
	v36 =	vsel vm1, v29, v25  }
0x111: {  	v31 =	vsel vm1, v31, v44;
	v27 =	vsel vm1, v45, v27;
	v25 =	vsel vm1, v25, v29  }
0x112: {  	v22 =	vsel vm1, v22, v26;
	v23 =	vsel vm1, v23, v28;
	v24 =	vsel vm1, v24, v30  }
0x113: {  	v26 =	vperm.xlane v46, v10;
	vm2 =	veq.f32 v31, v22;
	vm3 =	vlt.f32 v27, v23  }
0x114: {  	v28 =	vperm.xlane v47, v10;
	vm1 =	vgt.f32 v31, v22;
	vm2 =	vmand vm2, vm3  }
0x115: {  	vm1 =	vmor vm1, vm2  }
0x116: {  	vm3 =	vgt.f32 v46, v26;
	vm2 =	vlt.f32 v47, v28;
	v22 =	vsel vm1, v31, v22  }
0x117: {  	v23 =	vsel vm1, v27, v23;
	v24 =	vsel vm1, v25, v24;
	vm1 =	veq.f32 v46, v26  }
0x118: {  	v25 =	vperm.xlane v36, v10;
	v27 =	vperm.xlane v22, v10;
	vm1 =	vmand vm1, vm2  }
0x119: {  	v29 =	vperm.xlane v23, v10;
	v30 =	vperm.xlane v24, v10;
	vm1 =	vmor vm3, vm1  }
0x11a: {  	v31 =	vsel vm1, v36, v25;
	v48 =	vsel vm1, v26, v46;
	v26 =	vsel vm1, v28, v47  }
0x11b: {  	v25 =	vsel vm1, v25, v36;
	v27 =	vsel vm1, v22, v27;
	v22 =	vsel vm1, v23, v29  }
0x11c: {  	vm2 =	veq.f32 v48, v27;
	vm3 =	vlt.f32 v26, v22;
	v23 =	vadd.s32 $0x1, v31  }
0x11d: {  	v26 =	vadd.s32 $0x2, v31;
	vm2 =	vmand vm2, vm3;
	vm3 =	vgt.f32 v48, v27  }
0x11e: {  	v22 =	vsel vm1, v24, v30;
	v28 =	vadd.s32 $0x3, v31;
	vm1 =	vmor vm3, vm2  }
0x11f: {  	v29 =	vsel vm1, v25, v22  }
0x120: {  	v22 =	vld.idx.msk [tilespmem:v31+s22+$0x0], $0xffff;
	v30 =	vadd.s32 $0x1, v29  }
0x121: {  	v49 =	vadd.s32 $0x2, v29;
	v23 =	vld.idx.msk [tilespmem:v23+s22+$0x0], $0xffff  }
0x122: {  	v24 =	vld.idx.msk [tilespmem:v26+s22+$0x0], $0xffff;
	v26 =	vadd.s32 $0x3, v29  }
0x123: {  	v25 =	vld.idx.msk [tilespmem:v28+s22+$0x0], $0xffff  }
0x124: {  	v28 =	vld.idx.msk [tilespmem:v29+s22+$0x0], $0xffff  }
0x125: {  	v30 =	vld.idx.msk [tilespmem:v30+s22+$0x0], $0xffff  }
0x126: {  	v33 =	vld.idx.msk [tilespmem:v49+s22+$0x0], $0xffff  }
0x127: {  	v52 =	vadd.s32 $0x5, v29;
	v51 =	vld.idx.msk [tilespmem:v26+s22+$0x0], $0xffff  }
0x128: {  	v50 =	vadd.s32 $0x5, v31;
	_ =	sdelay $0x2  }
0x129: {  	v37 =	vmax.f32 v22, v28  }
0x12a: {  	v36 =	vld.idx.msk [tilespmem:v52+s22+$0x0], $0xffff;
	v53 =	vmax.f32 v23, v30;
	v38 =	vmin.f32 v24, v33;
	v39 =	vmin.f32 v25, v51  }
0x12b: {  	v26 =	vld.idx.msk [tilespmem:v50+s22+$0x0], $0xffff;
	v37 =	vsub.f32 v38, v37;
	v34 =	vsub.f32 v39, v53;
	_ =	sdelay $0x1  }
0x12c: {  	v37 =	vadd.f32 $1.000000000e+00, v37;
	v34 =	vadd.f32 $1.000000000e+00, v34;
	_ =	sdelay $0x1  }
0x12d: {  	v37 =	vmax.f32 v37, $0.0e+00;
	v34 =	vmax.f32 v34, $0.0e+00  }
0x12e: {  	v54 =	vadd.f32 v36, v26;
	v34 =	vmul.f32 v34, v37;
	_ =	sdelay $0x1  }
0x12f: {  	v37 =	vsub.f32 v54, v34;
	_ =	sdelay $0x1  }
0x130: {  	(erf) = vrcp.f32 v37;
	_ =	sdelay $0x4  }
0x131: {  	v31 =	vadd.s32 $0x4, v31  }
0x132: {  	v29 =	vadd.s32 $0x4, v29;
	_ =	sdelay $0x2  }
0x133: {  	v37 =	vpop (erf)  }
0x134: {  	v27 =	vsel vm1, v48, v27;
	v31 =	vld.idx.msk [tilespmem:v31+s22+$0x0], $0xffff;
	v55 =	vmul.f32 v37, v34  }
0x135: {  	vm1 =	vlt.f32 v27, $-Inf;
	vm2 =	vgt.f32 v27, $-Inf;
	v29 =	vld.idx.msk [tilespmem:v29+s22+$0x0], $0xffff  }
0x136: {  	p2 =	sne.s32 s29, $0x63;
	vm1 =	vmor vm2, vm1;
	vm2 =	vmmov vm15;
	vm3 =	vle.f32 v55, $5.000000000e-01  }
0x137: {  	s2 =	smul.u32 $0x5, s29;
	vm2 =	vmneg @p2 vm2;
	vm1 =	vmand vm1, vm3  }
0x138: {  	v1 =	vlaneseq.u32;
	vm1 =	vmand vm2, vm1  }
0x139: {  	s0 =	sadd.s32 $0x5, s2;
	v27 =	vsel vm10, $0x0, v31;
	v31 =	vadd.s32 s2, v1;
	vm2 =	vmand vm1, vm0  }
0x13a: {  	v56 =	vadd.s32 s0, v1;
	v27 =	vsel vm11, v27, v25;
	v29 =	vsel vm10, $0x0, v29  }
0x13b: {  	v27 =	vsel vm12, v27, v24;
	v29 =	vsel vm11, v29, v51  }
0x13c: {  	v27 =	vsel vm13, v27, v23;
	v29 =	vsel vm12, v29, v33  }
0x13d: {  	v27 =	vsel vm14, v22, v27;
	v29 =	vsel vm13, v29, v30  }
0x13e: {  	[tilespmem:v31+s23+$0x0] =	vst.idx.msk $0x1f, v27;
	v27 =	vsel vm14, v28, v29  }
0x13f: {  	s28 =	simm.s32 $0x0;
	[tilespmem:v56+s23+$0x0] =	vst.idx.msk vm2, v27  }
0x140: {  	v32 =	vld [tilespmem:s28+$0x3730]  }
0x141: {  	v57 =	vld [tilespmem:s28+$0x3C30]  }
0x142: {  	v58 =	vld [tilespmem:s28+$0x3230]  }
0x143: {  	v59 =	vld [tilespmem:s28+$0x2D30]  }
0x144: {  	v60 =	vld [tilespmem:s28+$0x3C20]  }
0x145: {  	v40 =	vld [tilespmem:s28+$0x3220]  }
0x146: {  	v41 =	vld [tilespmem:s28+$0x3720]  }
0x147: {  	v61 =	vld [tilespmem:s28+$0x3210]  }
0x148: {  	v29 =	vnsel vm1, $0xCBE4E1C0, v33;
	v31 =	vnsel vm1, $0x3F800000, v36;
	v42 =	vld [tilespmem:s28+$0x3710]  }
0x149: {  	v27 =	vnsel vm1, $0x4BE4E1C0, v28;
	v28 =	vnsel vm1, $0x4BE4E1C0, v30;
	v30 =	vnsel vm1, $0xCBE4E1C0, v51;
	v45 =	vld [tilespmem:s28+$0x2D20]  }
0x14a: {  	v47 =	vld [tilespmem:s28+$0x2D10];
	v62 =	vmin.f32 v24, v32;
	v32 =	vmin.f32 v29, v32;
	v36 =	vmin.f32 v30, v57  }
0x14b: {  	v34 =	vmin.f32 v25, v57;
	v43 =	vmax.f32 v28, v58;
	v44 =	vmax.f32 v27, v59  }
0x14c: {  	v53 =	vld [tilespmem:s28+$0x3700];
	v46 =	vmin.f32 v30, v60;
	v37 =	vmax.f32 v23, v58;
	v48 =	vmax.f32 v28, v40  }
0x14d: {  	v38 =	vmax.f32 v22, v59;
	v40 =	vmax.f32 v23, v40;
	v49 =	vmin.f32 v24, v41  }
0x14e: {  	v50 =	vld [tilespmem:s28+$0x2D00];
	v41 =	vmin.f32 v29, v41;
	v51 =	vmax.f32 v23, v61;
	v52 =	vmax.f32 v22, v45  }
0x14f: {  	v54 =	vmin.f32 v29, v42;
	v45 =	vmax.f32 v27, v45;
	v55 =	vmax.f32 v22, v47  }
0x150: {  	v63 =	vld [tilespmem:s28+$0x3200];
	v42 =	vmin.f32 v24, v42;
	v47 =	vmax.f32 v27, v47;
	v34 =	vsub.f32 v34, v37  }
0x151: {  	v58 =	vmin.f32 v24, v53;
	v46 =	vsub.f32 v46, v48;
	v35 =	vsub.f32 v62, v38  }
0x152: {  	v56 =	vld [tilespmem:s28+$0x3C00];
	v37 =	vmin.f32 v25, v60;
	v42 =	vsub.f32 v42, v55;
	v47 =	vsub.f32 v54, v47  }
0x153: {  	v49 =	vsub.f32 v49, v52;
	v52 =	vmax.f32 v22, v50;
	v41 =	vsub.f32 v41, v45  }
0x154: {  	v33 =	vmax.f32 v28, v61;
	v37 =	vsub.f32 v37, v40;
	v52 =	vsub.f32 v58, v52  }
0x155: {  	v39 =	vmax.f32 v23, v63;
	v57 =	vld [tilespmem:s28+$0x3C10];
	v46 =	vadd.f32 $1.000000000e+00, v46;
	v35 =	vadd.f32 $1.000000000e+00, v35  }
0x156: {  	v61 =	vld [tilespmem:s28+$0x4120];
	v55 =	vmax.f32 v28, v63;
	v42 =	vadd.f32 $1.000000000e+00, v42;
	v47 =	vadd.f32 $1.000000000e+00, v47  }
0x157: {  	v48 =	vld [tilespmem:s28+$0x4110];
	v60 =	vmin.f32 v30, v56;
	v49 =	vadd.f32 $1.000000000e+00, v49;
	v41 =	vadd.f32 $1.000000000e+00, v41  }
0x158: {  	v38 =	vld [tilespmem:s28+$0x4100];
	v62 =	vmin.f32 v29, v53;
	v34 =	vadd.f32 $1.000000000e+00, v34;
	v37 =	vadd.f32 $1.000000000e+00, v37  }
0x159: {  	v42 =	vmax.f32 v42, $0.0e+00;
	v47 =	vmax.f32 v47, $0.0e+00;
	v40 =	vmax.f32 v49, $0.0e+00  }
0x15a: {  	v49 =	vmax.f32 v27, v50;
	v50 =	vsub.f32 v60, v55;
	v60 =	vmin.f32 v25, v56  }
0x15b: {  	v46 =	vmax.f32 v46, $0.0e+00;
	v63 =	vmin.f32 v25, v57;
	v55 =	vadd.f32 v61, v31  }
0x15c: {  	v58 =	vmin.f32 v30, v57;
	v56 =	vadd.f32 $1.000000000e+00, v52;
	v54 =	vadd.f32 v48, v31  }
0x15d: {  	v35 =	vmax.f32 v35, $0.0e+00;
	v59 =	vadd.f32 v38, v26;
	v48 =	vadd.f32 v48, v26  }
0x15e: {  	v41 =	vmax.f32 v41, $0.0e+00;
	v38 =	vadd.f32 v38, v31;
	v39 =	vsub.f32 v60, v39  }
0x15f: {  	v34 =	vmax.f32 v34, $0.0e+00;
	v51 =	vsub.f32 v63, v51;
	v45 =	vsub.f32 v62, v49  }
0x160: {  	v37 =	vmax.f32 v37, $0.0e+00;
	v63 =	vadd.f32 v61, v26;
	v33 =	vsub.f32 v58, v33  }
0x161: {  	v41 =	vmul.f32 v46, v41;
	v34 =	vmul.f32 v34, v35;
	v60 =	vadd.f32 $1.000000000e+00, v50  }
0x162: {  	v37 =	vmul.f32 v37, v40;
	v39 =	vadd.f32 $1.000000000e+00, v39;
	v62 =	vadd.f32 $1.000000000e+00, v51  }
0x163: {  	v50 =	vld [tilespmem:s28+$0x4130];
	v58 =	vmax.f32 v56, $0.0e+00;
	v45 =	vadd.f32 $1.000000000e+00, v45;
	v33 =	vadd.f32 $1.000000000e+00, v33  }
0x164: {  	v40 =	vsub.f32 v63, v37;
	v49 =	vmax.f32 v60, $0.0e+00;
	v57 =	vmax.f32 v62, $0.0e+00  }
0x165: {  	v60 =	vsub.f32 v55, v41;
	v45 =	vmax.f32 v45, $0.0e+00;
	v46 =	vmul.f32 v57, v42  }
0x166: {  	v39 =	vmax.f32 v39, $0.0e+00;
	v33 =	vmax.f32 v33, $0.0e+00;
	v45 =	vmul.f32 v49, v45  }
0x167: {  	(erf) = vrcp.f32 v40;
	v47 =	vmul.f32 v33, v47;
	v61 =	vsub.f32 v48, v46  }
0x168: {  	(erf) = vrcp.f32 v60;
	v63 =	vadd.f32 v50, v26;
	v62 =	vsub.f32 v38, v45  }
0x169: {  	v48 =	vmul.f32 v39, v58;
	v52 =	vsub.f32 v54, v47;
	(erf) = vrcp.f32 v61  }
0x16a: {  	v36 =	vsub.f32 v36, v43;
	v53 =	vsub.f32 v63, v34;
	(erf) = vrcp.f32 v62  }
0x16b: {  	v32 =	vsub.f32 v32, v44;
	v54 =	vsub.f32 v59, v48;
	(erf) = vrcp.f32 v52  }
0x16c: {  	(erf) = vrcp.f32 v53  }
0x16d: {  	v32 =	vadd.f32 $1.000000000e+00, v32;
	v55 =	vadd.f32 $1.000000000e+00, v36;
	(erf) = vrcp.f32 v54;
	_ =	sdelay $0x1  }
0x16e: {  	v32 =	vmax.f32 v32, $0.0e+00;
	v33 =	vmax.f32 v55, $0.0e+00  }
0x16f: {  	v42 =	vmul.f32 v33, v32;
	v58 =	vadd.f32 v50, v31;
	v56 =	vpop (erf)  }
0x170: {  	v57 =	vpop (erf)  }
0x171: {  	p2 =	por $0x1, $0x1;
	v33 =	vsub.f32 v58, v42;
	v59 =	vpop (erf)  }
.Ltmp1:
0x172: {  	s5 =	scvt.s32.f32 s25;
	v35 =	vmul.f32 v56, v37;
	v32 =	vmul.f32 v57, v41;
	v60 =	vpop (erf);
	(pc) =	sbr.rel @!p2 .LBB2_6-.Ltmp1, $4  }
0x173: {  	v43 =	vimm.f32 $-Inf;
	v40 =	vimm.f32 $-Inf;
	(erf) = vrcp.f32 v33;
	v61 =	vpop (erf)  }
0x174: {  	s29 =	sadd.s32 $0x1, s29;
	v44 =	vld [tilespmem:s28+$0x4620];
	v33 =	vadd.f32 s5, v3;
	vm2 =	vgt.f32 v35, $5.000000000e-01;
	v38 =	vmul.f32 v59, v46;
	v62 =	vpop (erf)  }
0x175: {  	s6 =	simm.s32 $0x30;
	s31 =	simm.s32 $0x100;
	s30 =	simm.s32 $0x40;
	v37 =	vld [tilespmem:s28+$0x4600];
	vm3 =	vgt.f32 v32, $5.000000000e-01;
	v45 =	vmul.f32 v60, v45;
	v39 =	vmul.f32 v61, v47;
	v63 =	vpop (erf)  }
0x176: {  	s1 =	simm.s32 $0x20;
	s0 =	scvt.s32.f32 s6;
	s6 =	simm.s32 $0x10;
	v36 =	vmovc v3;
	v35 =	vld [tilespmem:s28+$0x4610];
	vm2 =	vmor vm2, vm3;
	v32 =	vmovc v3;
	v41 =	vmul.f32 v62, v34;
	v46 =	vmul.f32 v63, v48  }
.LBB2_5:
0x177: {  	s2 =	sshra.s32 s31, $0x2  }
0x178: {  	vm3 =	vgt.f32 v45, $5.000000000e-01;
	s6 =	scvt.s32.f32 s6;
	v34 =	vadd.f32 s0, v3;
	s0 =	smov.u32 s31;
	s5 =	sadd.s32 $0x100, s31  }
0x179: {  	p2 =	sne.s32 s31, $0x1300;
	vm5 =	vgt.f32 v38, $5.000000000e-01;
	vm6 =	vgt.f32 v39, $5.000000000e-01;
	v45 =	vld [tilespmem:s2+$0x3730];
	vm4 =	vgt.f32 v46, $5.000000000e-01;
	s0 =	scvt.s32.f32 s1  }
0x17a: {  	v46 =	vld [tilespmem:s2+$0x3C30];
	vm3 =	vmor vm4, vm3;
	vm4 =	vmor vm5, vm6;
	v39 =	vadd.f32 s6, v3  }
0x17b: {  	v38 =	vsel vm2, $0xFF800000, v44;
	v47 =	vld [tilespmem:s2+$0x3230];
	v48 =	vsel vm3, $0xFF800000, v37;
	v37 =	vadd.f32 s0, v3  }
0x17c: {  	vm5 =	vgt.f32 v41, $5.000000000e-01;
	v44 =	vld [tilespmem:s2+$0x2D30];
	vm2 =	vgt.f32 v48, v43;
	vm3 =	vgt.f32 v48, v40;
	[tilespmem:s28+$0x4620] =	vst v38;
	v49 =	vpop (erf)  }
0x17d: {  	v41 =	vsel vm4, $0xFF800000, v35;
	v50 =	vld [tilespmem:s2+$0x3C20];
	[tilespmem:s28+$0x4600] =	vst v48;
	v51 =	vsel vm3, v48, v40;
	v35 =	vmul.f32 v49, v42  }
0x17e: {  	v40 =	vsel vm2, v33, v32;
	v49 =	vld [tilespmem:s2+$0x3720];
	v52 =	vmin.f32 v24, v45;
	v45 =	vmin.f32 v29, v45;
	[tilespmem:s28+$0x4610] =	vst v41  }
0x17f: {  	v42 =	vsel vm2, v43, v51;
	v53 =	vld [tilespmem:s2+$0x3220];
	v54 =	vmin.f32 v30, v46;
	vm4 =	vgt.f32 v35, $5.000000000e-01  }
0x180: {  	v46 =	vmin.f32 v25, v46;
	v35 =	vld [tilespmem:s2+$0x3210];
	v51 =	vmax.f32 v28, v47;
	vm5 =	vmor vm5, vm4  }
0x181: {  	vm4 =	vgt.f32 v41, v42;
	v55 =	vld [tilespmem:s2+$0x3710];
	v56 =	vmax.f32 v27, v44;
	v51 =	vsub.f32 v54, v51  }
0x182: {  	v47 =	vmax.f32 v23, v47;
	v54 =	vld [tilespmem:s2+$0x2D20];
	v57 =	vmin.f32 v30, v50;
	v45 =	vsub.f32 v45, v56  }
0x183: {  	v43 =	vsel vm2, v48, v43;
	v47 =	vsub.f32 v46, v47;
	v56 =	vld [tilespmem:s2+$0x2D10];
	v46 =	vadd.f32 $1.000000000e+00, v51  }
0x184: {  	v50 =	vmin.f32 v25, v50;
	v48 =	vld [tilespmem:s2+$0x3C10];
	v51 =	vmax.f32 v28, v53;
	v45 =	vadd.f32 $1.000000000e+00, v45  }
0x185: {  	v44 =	vmax.f32 v22, v44;
	v58 =	vld [tilespmem:s2+$0x3200];
	v51 =	vsub.f32 v57, v51;
	v46 =	vmax.f32 v46, $0.0e+00  }
0x186: {  	v59 =	vmin.f32 v24, v49;
	v49 =	vmin.f32 v29, v49;
	v53 =	vmax.f32 v23, v53;
	v57 =	vld [tilespmem:s2+$0x4110]  }
0x187: {  	v61 =	vmax.f32 v23, v35;
	v62 =	vmax.f32 v28, v35;
	v60 =	vld [tilespmem:s2+$0x2D00];
	v63 =	vmax.f32 v22, v54  }
0x188: {  	v35 =	vsub.f32 v52, v44;
	v1 =	vmin.f32 v29, v55;
	v54 =	vmax.f32 v27, v54;
	v21 =	vld [tilespmem:s2+$0x3700]  }
0x189: {  	v55 =	vmin.f32 v24, v55;
	v51 =	vadd.f32 $1.000000000e+00, v51;
	v52 =	vmax.f32 v22, v56;
	v44 =	vld [tilespmem:s2+$0x4100]  }
0x18a: {  	v52 =	vsub.f32 v55, v52;
	v55 =	vmax.f32 v27, v56;
	v56 =	vadd.f32 $1.000000000e+00, v35;
	v11 =	vld [tilespmem:s2+$0x3C00]  }
0x18b: {  	v12 =	vmax.f32 v28, v58;
	v1 =	vsub.f32 v1, v55;
	v55 =	vsub.f32 v59, v63;
	v35 =	vld [tilespmem:s2+$0x4610]  }
0x18c: {  	v52 =	vadd.f32 $1.000000000e+00, v52;
	v63 =	vadd.f32 v57, v31;
	v59 =	vmax.f32 v22, v60  }
0x18d: {  	v58 =	vmax.f32 v23, v58;
	v1 =	vadd.f32 $1.000000000e+00, v1;
	v55 =	vadd.f32 $1.000000000e+00, v55  }
0x18e: {  	v13 =	vmin.f32 v24, v21;
	v52 =	vmax.f32 v52, $0.0e+00;
	v15 =	vadd.f32 v44, v26  }
0x18f: {  	v57 =	vadd.f32 v57, v26;
	v1 =	vmax.f32 v1, $0.0e+00;
	v17 =	vmin.f32 v30, v11;
	v19 =	vld [tilespmem:s2+$0x4120]  }
0x190: {  	v50 =	vsub.f32 v50, v53;
	v44 =	vadd.f32 v44, v31;
	v55 =	vmax.f32 v55, $0.0e+00  }
0x191: {  	v53 =	vmax.f32 v27, v60;
	v12 =	vsub.f32 v17, v12;
	v17 =	vmax.f32 v51, $0.0e+00  }
0x192: {  	v50 =	vadd.f32 $1.000000000e+00, v50;
	v13 =	vsub.f32 v13, v59;
	v11 =	vmin.f32 v25, v11  }
0x193: {  	v49 =	vsub.f32 v49, v54;
	v21 =	vmin.f32 v29, v21;
	v11 =	vsub.f32 v11, v58  }
0x194: {  	v50 =	vmax.f32 v50, $0.0e+00;
	v51 =	vmin.f32 v25, v48;
	v54 =	vadd.f32 v19, v31  }
0x195: {  	v49 =	vadd.f32 $1.000000000e+00, v49;
	v48 =	vmin.f32 v30, v48;
	v51 =	vsub.f32 v51, v61  }
0x196: {  	v21 =	vsub.f32 v21, v53;
	v53 =	vmax.f32 v56, $0.0e+00;
	v12 =	vadd.f32 $1.000000000e+00, v12  }
0x197: {  	v49 =	vmax.f32 v49, $0.0e+00;
	v11 =	vadd.f32 $1.000000000e+00, v11;
	v51 =	vadd.f32 $1.000000000e+00, v51  }
0x198: {  	v50 =	vmul.f32 v50, v55;
	v21 =	vadd.f32 $1.000000000e+00, v21;
	v19 =	vadd.f32 v19, v26  }
0x199: {  	v13 =	vadd.f32 $1.000000000e+00, v13;
	v48 =	vsub.f32 v48, v62;
	v17 =	vmul.f32 v17, v49  }
0x19a: {  	v47 =	vadd.f32 $1.000000000e+00, v47;
	v49 =	vmax.f32 v51, $0.0e+00;
	v19 =	vsub.f32 v19, v50  }
0x19b: {  	v48 =	vadd.f32 $1.000000000e+00, v48;
	v12 =	vmax.f32 v12, $0.0e+00;
	v49 =	vmul.f32 v49, v52  }
0x19c: {  	v13 =	vmax.f32 v13, $0.0e+00;
	v21 =	vmax.f32 v21, $0.0e+00;
	v11 =	vmax.f32 v11, $0.0e+00;
	v51 =	vld [tilespmem:s28+$0x4630]  }
0x19d: {  	v47 =	vmax.f32 v47, $0.0e+00;
	v12 =	vmul.f32 v12, v21;
	v21 =	vmax.f32 v48, $0.0e+00;
	v48 =	vld [tilespmem:s2+$0x4130]  }
0x19e: {  	v47 =	vmul.f32 v47, v53;
	v52 =	vsub.f32 v54, v17;
	(erf) = vrcp.f32 v19  }
0x19f: {  	v11 =	vmul.f32 v11, v13;
	v13 =	vsub.f32 v44, v12;
	v19 =	vsub.f32 v57, v49;
	v44 =	vld [tilespmem:s2+$0x4620]  }
0x1a0: {  	v33 =	vsel vm3, v33, v36;
	vm3 =	vgt.f32 v41, v43;
	(erf) = vrcp.f32 v52  }
0x1a1: {  	v1 =	vmul.f32 v21, v1;
	(erf) = vrcp.f32 v19;
	v19 =	vsel vm3, v41, v43  }
0x1a2: {  	v15 =	vsub.f32 v15, v11;
	v36 =	vsel vm5, $0xFF800000, v51;
	v21 =	vadd.f32 v48, v26  }
0x1a3: {  	v48 =	vadd.f32 v48, v31;
	(erf) = vrcp.f32 v13;
	v13 =	vsel vm4, v41, v42  }
0x1a4: {  	v32 =	vsel vm2, v32, v33;
	v41 =	vsub.f32 v63, v1;
	v42 =	vmax.f32 v45, $0.0e+00  }
0x1a5: {  	v33 =	vsel vm3, v39, v40;
	v21 =	vsub.f32 v21, v47;
	v42 =	vmul.f32 v46, v42  }
0x1a6: {  	v32 =	vsel vm4, v39, v32;
	v13 =	vsel vm3, v43, v13;
	(erf) = vrcp.f32 v41  }
0x1a7: {  	v39 =	vpop (erf);
	(erf) = vrcp.f32 v21;
	v21 =	vsel vm3, v40, v32;
	vm3 =	vgt.f32 v38, v19  }
0x1a8: {  	vm2 =	vgt.f32 v38, v13;
	v32 =	vmul.f32 v39, v50;
	(erf) = vrcp.f32 v15  }
0x1a9: {  	v13 =	vsel vm2, v38, v13;
	v15 =	vsub.f32 v48, v42;
	v40 =	vsel vm3, v38, v19;
	v39 =	vpop (erf);
	[tilespmem:s28+$0x4630] =	vst v36;
	s28 =	smov.u32 s2  }
0x1aa: {  	v13 =	vsel vm3, v19, v13;
	v19 =	vsel vm2, v37, v21;
	v39 =	vmul.f32 v39, v17;
	v38 =	vpop (erf)  }
0x1ab: {  	v19 =	vsel vm3, v33, v19;
	vm4 =	vgt.f32 v36, v40;
	v38 =	vmul.f32 v38, v49  }
0x1ac: {  	vm6 =	vgt.f32 v36, v13;
	vm2 =	vgt.f32 v32, $5.000000000e-01;
	vm5 =	vgt.f32 v39, $5.000000000e-01;
	v17 =	vpop (erf)  }
0x1ad: {  	s0 =	scvt.s32.f32 s30;
	v13 =	vsel vm6, v36, v13;
	v43 =	vsel vm4, v36, v40;
	vm2 =	vmor vm2, vm5  }
.Ltmp2:
0x1ae: {  	v19 =	vsel vm6, v34, v19;
	(erf) = vrcp.f32 v15;
	v15 =	vsel vm3, v37, v33;
	(pc) =	sbr.rel @p2 .LBB2_5-.Ltmp2, $4  }
0x1af: {  	v45 =	vmul.f32 v17, v12;
	v33 =	vadd.f32 s0, v3;
	v12 =	vpop (erf);
	v36 =	vsel vm4, v15, v19  }
0x1b0: {  	v40 =	vsel vm4, v40, v13;
	s0 =	sadd.s32 $0x30, s30;
	v32 =	vsel vm4, v34, v15;
	v39 =	vmul.f32 v12, v1;
	v1 =	vpop (erf)  }
0x1b1: {  	s1 =	sadd.s32 $0x20, s30;
	s0 =	scvt.s32.f32 s0;
	v37 =	vld [tilespmem:s28+$0x4600];
	v41 =	vmul.f32 v1, v47;
	v1 =	vpop (erf)  }
0x1b2: {  	s31 =	smov.u32 s5;
	s6 =	sadd.s32 $0x10, s30;
	s30 =	sadd.s32 $0x40, s30;
	v46 =	vmul.f32 v1, v11  }
.LBB2_6:
0x1b3: {  	v1 =	vimm.s32 $0x0  }
0x1b4: {  	v1 =	vsel vm1, $0x1, v1  }
0x1b5: {  	(v2sf) =	vpush v1, $0x0;
	_ =	sdelay $0x7  }
0x1b6: {  	vm1 =	vgt.f32 v45, $5.000000000e-01;
	vm3 =	vgt.f32 v46, $5.000000000e-01  }
0x1b7: {  	vm4 =	vgt.f32 v38, $5.000000000e-01;
	vm1 =	vmor vm3, vm1  }
0x1b8: {  	vm5 =	vgt.f32 v39, $5.000000000e-01;
	v12 =	vadd.f32 s0, v3;
	v11 =	vsel vm1, $0xFF800000, v37  }
0x1b9: {  	s2 =	scvt.s32.f32 s6;
	v1 =	vsel vm2, $0xFF800000, v44;
	vm2 =	vmor vm4, vm5;
	vm1 =	vgt.f32 v11, v40  }
0x1ba: {  	s1 =	scvt.s32.f32 s1;
	v13 =	vsel vm2, $0xFF800000, v35;
	vm2 =	vgt.f32 v11, v43;
	v19 =	vpop (erf);
	v21 =	vsel vm1, v11, v40  }
0x1bb: {  	v22 =	vld [tilespmem:s28+$0x4630];
	v15 =	vadd.f32 s2, v3;
	v19 =	vmul.f32 v19, v42;
	v21 =	vsel vm2, v43, v21  }
0x1bc: {  	v17 =	vadd.f32 s1, v3;
	vm3 =	vgt.f32 v41, $5.000000000e-01;
	vm5 =	vgt.f32 v13, v21  }
0x1bd: {  	[tilespmem:s28+$0x4600] =	vst v11;
	v11 =	vsel vm2, v11, v43;
	vm4 =	vgt.f32 v19, $5.000000000e-01;
	v19 =	vsel vm5, v13, v21;
	s31 =	spop (v2sf)  }
0x1be: {  	s0 =	simm.s32 $0x1;
	v21 =	vsel vm1, v33, v36;
	vm3 =	vmor vm3, vm4;
	vm4 =	vgt.f32 v13, v11;
	p2 =	sne.s32 s31, $0x0  }
0x1bf: {  	[tilespmem:s28+$0x4610] =	vst v13;
	v23 =	vsel vm2, v33, v32;
	v21 =	vsel vm2, v32, v21;
	v13 =	vsel vm4, v13, v11;
	s0 =	simm.s32 @!p2 $0x0  }
0x1c0: {  	v11 =	vsel vm4, v11, v19;
	v19 =	vsel vm3, $0xFF800000, v22;
	v21 =	vsel vm5, v15, v21;
	s29 =	sadd.s32 s0, s29  }
0x1c1: {  	v15 =	vsel vm4, v15, v23;
	vm1 =	vgt.f32 v1, v11;
	vm2 =	vgt.f32 v1, v13;
	p2 =	slt.s32 s29, $0x64  }
.Ltmp3:
0x1c2: {  	[tilespmem:s28+$0x4620] =	vst v1;
	v21 =	vsel vm4, v23, v21;
	v11 =	vsel vm1, v1, v11;
	v1 =	vsel vm2, v1, v13;
	(pc) =	sbr.rel @p2 .LBB2_4-.Ltmp3, $4  }
0x1c3: {  	v11 =	vsel vm2, v13, v11;
	v13 =	vsel vm1, v17, v21;
	vm3 =	vgt.f32 v19, v1  }
0x1c4: {  	vm1 =	vgt.f32 v19, v11;
	v13 =	vsel vm2, v15, v13;
	v22 =	vsel vm3, v19, v1  }
0x1c5: {  	v15 =	vsel vm2, v17, v15;
	v11 =	vsel vm1, v19, v11;
	v13 =	vsel vm1, v12, v13  }
0x1c6: {  	s26 =	sadd.s32 $0x1, s26;
	[tilespmem:s28+$0x4630] =	vst v19;
	v25 =	vsel vm3, v12, v15;
	v23 =	vsel vm3, v15, v13;
	v24 =	vsel vm3, v1, v11  }
0x1c7: {  	s0 =	simm.s32 @!p1 $0x0  }
0x1c8: {  	s1 =	simm.s32 @!p1 $0x4C80;
	s2 =	rddreg [dreg:$0x2];
	s24 =	sadd.s32 $0x1, s24  }
0x1c9: {  	[hbm4b:s2+s0] =	stream.linear.scatter @!p1 [tilespmem:s1], [sflag:$0x2], $0x200, $0x38;
	[tilespmem:$0x4EA0] =	vst v63  }
0x1ca: {  	p2 =	sne.s32 s24, s11  }
.Ltmp4:
0x1cb: {  	_ = 	snop;
	(pc) =	sbr.rel @p2 .LBB2_1-.Ltmp4, $4  }
0x1cc: {  	s0 =	simm.s32 @!p1 $0x2  }
0x1cd: {  	_ =	swait.ge @!p1 [sflag:s0], $0x200  }
0x1ce: {  	[sflag:s0] =	ssyncset.done @!p1 $0x0  }
0x1cf: {  	[sflag:s0] =	ssyncadd.s32 @!p1 $0xFFFFFE00  }
0x1d0: {  	_ =	sfence.sel $0x180000  }
0x1d1: {  	[bflag:$0x0] =	sbarrier.arrive $0xFFFF  }
0x1d2: {  	_ =	strace $0x90000047  }
0x1d3: {  	s0 =	stileid.u32;
	[bflag:$0x2] =	sbarrier.arrive $0xFFFF  }
0x1d4: {  	p0 =	sne.s32 s0, $0x0;
	s0 =	rddreg [dreg:$0x4]  }
0x1d5: {  	s0 =	sadd.s32 @!p0 $0x100000, s0  }
0x1d6: {  	[sflag:s0] =	ssyncadd.tile.s32 @!p0 $0x1;
	_ =	shalt  }
.Lfunc_end2:
_tile_overlayer_lowered:
.L_overlay_start_2:
0x1d7: {  	(tag) =	ssettag $0x2  }
0x1d8: {  	s0 =	rddreg [dreg:$0x0];
	s2 =	stileid.u32  }
0x1d9: {  	s1 =	rddreg [dreg:$0x1];
	p0 =	sne.s32 s2, $0x0  }
0x1da: {  	s3 =	rddreg [dreg:$0x2];
	[bflag:$0x3] =	sbarrier.arrive $0xFFFF;
	s2 =	simm.s32 @!p0 $0x1C02  }
0x1db: {  	[timem:s3], [sflag:s2] =	dma.local @!p0 [hbm:s0], s1  }
0x1dc: {  	s0 =	simm.s32 @!p0 $0x2  }
0x1dd: {  	_ =	swait.ge @!p0 [sflag:s0], s1  }
0x1de: {  	s1 =	ssub.s32 @!p0 $0x0, s1;
	[sflag:s0] =	ssyncset.done @!p0 $0x0  }
0x1df: {  	[sflag:s0] =	ssyncadd.s32 @!p0 s1  }
0x1e0: {  	[bflag:$0x3] =	sbarrier.arrive $0xFFFF  }
0x1e1: {  	_ =	shalt  }

</sc_bundles>
